<compile_context>
chip_gen: v7x
topology: tpu7x:2x2x1
jax: 0.10.2.dev20260603
libtpu: 0.0.44.dev20260713+nightly
codegen_flags: <defaults>
</compile_context>

<pallas_src>
import functools

import jax
import jax.numpy as jnp
from jax import lax
from jax.experimental import pallas as pl
from jax.experimental.pallas import tpu as pltpu
from jax.experimental.pallas import tpu_sc as plsc

_NC = 2
_NS = 16
_NW = _NC * _NS


def _sc_sums_body(w_hbm, psi_hbm, o1_hbm, o2_hbm, wv, pv, a1v, a2v):
    wid = lax.axis_index("s") * _NC + lax.axis_index("c")
    n = wv.shape[0]
    base = wid * n
    pltpu.sync_copy(w_hbm.at[pl.ds(base, n)], wv)
    pltpu.sync_copy(psi_hbm.at[pl.ds(base, n)], pv)

    def body(i, carry):
        a1, a2 = carry
        wvec = wv[pl.ds(i * 16, 16)]
        pvec = pv[pl.ds(i * 16, 16)]
        return a1 + wvec * pvec, a2 + wvec

    z = jnp.zeros((16,), jnp.float32)
    a1, a2 = lax.fori_loop(0, n // 16, body, (z, z))
    a1v[...] = a1
    a2v[...] = a2
    pltpu.sync_copy(a1v, o1_hbm.at[wid])
    pltpu.sync_copy(a2v, o2_hbm.at[wid])


def _psi_sums(w, psi):
    k = w.shape[0]
    n = ((k + _NW * 16 - 1) // (_NW * 16)) * 16
    kp = n * _NW
    wpad = jnp.pad(w, (0, kp - k))
    ppad = jnp.pad(psi, (0, kp - k))
    mesh = plsc.VectorSubcoreMesh(core_axis_name="c", subcore_axis_name="s")
    f = functools.partial(
        pl.kernel, mesh=mesh,
        out_type=[jax.ShapeDtypeStruct((_NW, 16), jnp.float32),
                  jax.ShapeDtypeStruct((_NW, 16), jnp.float32)],
        scratch_types=[pltpu.VMEM((n,), jnp.float32),
                       pltpu.VMEM((n,), jnp.float32),
                       pltpu.VMEM((16,), jnp.float32),
                       pltpu.VMEM((16,), jnp.float32)],
    )(_sc_sums_body)
    return f(wpad, ppad)


def _tc_body(x_ref, y_ref, psi_ref, out_ref, macc, xb16, *, kb, nkb, k_total):
    kidx = pl.program_id(0)

    @pl.when(kidx == 0)
    def _init():
        macc[...] = jnp.full(macc.shape, jnp.inf, jnp.float32)
        xb16[...] = (-2.0 * x_ref[...]).astype(jnp.bfloat16)

    xb = xb16[...]
    ones8 = jnp.ones((8, x_ref.shape[1]), jnp.float32)
    psib = psi_ref[0:1, :]

    lane = jax.lax.broadcasted_iota(jnp.int32, (1, kb), 1)
    mask = (kidx * kb + lane) < k_total

    cj = 2048
    njc = kb // cj

    def _chunked_min(masked):
        yball = y_ref[...]
        yb16 = yball.astype(jnp.bfloat16)
        ysq16 = yb16 * yb16
        y2r = jax.lax.dot_general(
            ones8.astype(jnp.bfloat16), ysq16,
            dimension_numbers=(((1,), (1,)), ((), ())),
            preferred_element_type=jnp.float32,
        )
        call16 = (y2r[0:1, :] - psib).astype(jnp.bfloat16)
        acc = None
        big = jnp.bfloat16(3.0e38)
        for j in range(njc):
            cross = jax.lax.dot_general(
                xb, yb16[j * cj:(j + 1) * cj, :],
                dimension_numbers=(((1,), (1,)), ((), ())),
                preferred_element_type=jnp.float32,
            ).astype(jnp.bfloat16)
            d = cross + call16[:, j * cj:(j + 1) * cj]
            if masked:
                d = jnp.where(mask[:, j * cj:(j + 1) * cj], d, big)
            m = jnp.minimum(d[:, 0:128], d[:, 128:256])
            for h in range(2, cj // 128):
                m = jnp.minimum(m, d[:, h * 128:(h + 1) * 128])
            acc = m if acc is None else jnp.minimum(acc, m)
        return acc.astype(jnp.float32)

    @pl.when(kidx < nkb - 1)
    def _full_block():
        macc[...] = jnp.minimum(macc[...], _chunked_min(False))

    @pl.when(kidx == nkb - 1)
    def _last_block():
        mins128 = jnp.minimum(macc[...], _chunked_min(True))
        mins = jnp.min(mins128, axis=1, keepdims=True)
        x = x_ref[...]
        x2 = jnp.sum(x * x, axis=1, keepdims=True)
        out_ref[...] = jnp.mean(mins + x2).reshape(1, 1)


def kernel(inputx, patch_weights, y, psi):
    q, d = inputx.shape
    k = y.shape[0]
    kb = 14336
    nkb = (k + kb - 1) // kb

    psi2d = psi.reshape(1, k)

    tc_part = pl.pallas_call(
        functools.partial(_tc_body, kb=kb, nkb=nkb, k_total=k),
        grid=(nkb,),
        in_specs=[
            pl.BlockSpec((q, d), lambda i: (0, 0)),
            pl.BlockSpec((kb, d), lambda i: (i, 0)),
            pl.BlockSpec((1, kb), lambda i: (0, i)),
        ],
        out_specs=pl.BlockSpec((1, 1), lambda i: (0, 0)),
        out_shape=jax.ShapeDtypeStruct((1, 1), jnp.float32),
        scratch_shapes=[
            pltpu.VMEM((q, 128), jnp.float32),
            pltpu.VMEM((q, d), jnp.bfloat16),
        ],
        compiler_params=pltpu.CompilerParams(
            dimension_semantics=("arbitrary",),
        ),
    )(inputx, y, psi2d)

    s1p, s2p = _psi_sums(patch_weights, psi)
    return tc_part[0, 0] + jnp.sum(s1p) / jnp.sum(s2p)

# --- scband reference (transcript-rebuilt; emitter-appended) ---
"""Pipeline reference for scband-semidual-32504312496602 (READ-ONLY COPY).

The authoritative reference and input builder live on the scoring server;
editing this copy changes nothing except your own understanding.
"""

import jax, jax.numpy as jnp
import numpy as np

Q = 1024
K = 100000
D = 128

def setup_inputs(seed: int = 0) -> dict:
    key = jax.random.key(seed)
    k1, k2, k3 = jax.random.split(key, 3)
    inputx = jax.random.normal(k1, (Q, D), dtype=jnp.float32)
    patch_weights = jax.random.uniform(k2, (K,), dtype=jnp.float32)
    # learned/constructor state: inputy (the target point cloud) and the dual variable psi
    y = jax.random.normal(k3, (K, D), dtype=jnp.float32)
    psi = jnp.zeros((K,), dtype=jnp.float32)
    return {"inputx": inputx, "patch_weights": patch_weights, "y": y, "psi": psi}

def reference(inputx, patch_weights, y, psi):
    # faithful translation of the non-keops branch of semidual.forward
    yt = y.T                                            # [D, K]
    y2 = jnp.sum(yt ** 2, axis=0, keepdims=True)        # [1, K]
    cxy = jnp.sum(inputx ** 2, axis=1, keepdims=True) + y2 - 2.0 * jnp.matmul(inputx, yt)  # [Q, K]
    min_vals = jnp.min(cxy - psi[None, :], axis=1)      # [Q]
    loss = jnp.mean(min_vals) + jnp.sum(patch_weights * psi) / jnp.sum(patch_weights)
    return loss

if __name__ == "__main__":
    import jax
    _d = setup_inputs()
    print(jax.jit(kernel)(*tuple(_d.values())))

</pallas_src>

<mosaic_0001>
#map = affine_map<(d0, d1) -> (0)>
#map1 = affine_map<(d0, d1) -> (0, 0)>
module attributes {stable_mosaic.version = 14 : i64} {
  func.func @_sc_sums_body(%arg0: i32, %arg1: i32, %arg2: memref<100352xf32, #tpu.memory_space<hbm>>, %arg3: memref<100352xf32, #tpu.memory_space<hbm>>, %arg4: memref<32x16xf32, #tpu.memory_space<hbm>>, %arg5: memref<32x16xf32, #tpu.memory_space<hbm>>, %arg6: memref<3136xf32, #tpu.memory_space<vmem>>, %arg7: memref<3136xf32, #tpu.memory_space<vmem>>, %arg8: memref<16xf32, #tpu.memory_space<vmem>>, %arg9: memref<16xf32, #tpu.memory_space<vmem>>) attributes {dimension_semantics = [#tpu.dimension_semantics<core_parallel>, #tpu.dimension_semantics<subcore_parallel>], iteration_bounds = array<i64: 2, 16>, scalar_prefetch = 0 : i64, scratch_operands = 4 : i64, tpu.core_type = #tpu.core_type<sc_vector_subcore>, window_params = [{transform_indices = #map}, {transform_indices = #map}, {transform_indices = #map1}, {transform_indices = #map1}]} {
    %mul3A = arith.constant 2 : i32
    %mul3A_0 = arith.muli %arg1, %mul3A : i32
    %add3A = arith.addi %mul3A_0, %arg0 : i32
    %mul3A_1 = arith.constant 3136 : i32
    %mul3A_2 = arith.muli %add3A, %mul3A_1 : i32
    "tpu.region"() ({
      %run_scoped3A = tpu.sem_alloc : memref<!tpu.dma_semaphore, #tpu.memory_space<semaphore_mem>>
      %dma_start3A = tpu.memref_slice %arg2[%mul3A_2] : memref<100352xf32, #tpu.memory_space<hbm>> -> memref<3136xf32, #tpu.memory_space<hbm>>
      %dma_start3A_16 = tpu.memref_slice %arg2[%mul3A_2] : memref<100352xf32, #tpu.memory_space<hbm>> -> memref<3136xf32, #tpu.memory_space<hbm>>
      tpu.enqueue_dma source(%dma_start3A_16 : memref<3136xf32, #tpu.memory_space<hbm>>) target(%arg6 : memref<3136xf32, #tpu.memory_space<vmem>>) target_semaphore(%run_scoped3A : memref<!tpu.dma_semaphore, #tpu.memory_space<semaphore_mem>>)
      %dma_wait3A = tpu.memref_slice %arg2[%mul3A_2] : memref<100352xf32, #tpu.memory_space<hbm>> -> memref<3136xf32, #tpu.memory_space<hbm>>
      %dma_wait3A_17 = tpu.memref_slice %arg2[%mul3A_2] : memref<100352xf32, #tpu.memory_space<hbm>> -> memref<3136xf32, #tpu.memory_space<hbm>>
      tpu.wait_dma2 semaphore(%run_scoped3A : memref<!tpu.dma_semaphore, #tpu.memory_space<semaphore_mem>>) src(%dma_wait3A_17 : memref<3136xf32, #tpu.memory_space<hbm>>) dst(%arg6 : memref<3136xf32, #tpu.memory_space<vmem>>)
      tpu.yield
    }) : () -> ()
    "tpu.region"() ({
      %run_scoped3A = tpu.sem_alloc : memref<!tpu.dma_semaphore, #tpu.memory_space<semaphore_mem>>
      %dma_start3A = tpu.memref_slice %arg3[%mul3A_2] : memref<100352xf32, #tpu.memory_space<hbm>> -> memref<3136xf32, #tpu.memory_space<hbm>>
      %dma_start3A_16 = tpu.memref_slice %arg3[%mul3A_2] : memref<100352xf32, #tpu.memory_space<hbm>> -> memref<3136xf32, #tpu.memory_space<hbm>>
      tpu.enqueue_dma source(%dma_start3A_16 : memref<3136xf32, #tpu.memory_space<hbm>>) target(%arg7 : memref<3136xf32, #tpu.memory_space<vmem>>) target_semaphore(%run_scoped3A : memref<!tpu.dma_semaphore, #tpu.memory_space<semaphore_mem>>)
      %dma_wait3A = tpu.memref_slice %arg3[%mul3A_2] : memref<100352xf32, #tpu.memory_space<hbm>> -> memref<3136xf32, #tpu.memory_space<hbm>>
      %dma_wait3A_17 = tpu.memref_slice %arg3[%mul3A_2] : memref<100352xf32, #tpu.memory_space<hbm>> -> memref<3136xf32, #tpu.memory_space<hbm>>
      tpu.wait_dma2 semaphore(%run_scoped3A : memref<!tpu.dma_semaphore, #tpu.memory_space<semaphore_mem>>) src(%dma_wait3A_17 : memref<3136xf32, #tpu.memory_space<hbm>>) dst(%arg7 : memref<3136xf32, #tpu.memory_space<vmem>>)
      tpu.yield
    }) : () -> ()
    %broadcast_in_dim3A = arith.constant 0.000000e+00 : f32
    %broadcast_in_dim3A_3 = vector.broadcast %broadcast_in_dim3A : f32 to vector<16xf32>
    %scan3A = arith.constant 0 : i32
    %scan3A_4 = arith.constant 196 : i32
    %scan3A_5 = arith.addi %scan3A, %scan3A_4 : i32
    %scan3A_6 = arith.constant 1 : i32
    %scan3A_7:2 = scf.for %scan3A_16 = %scan3A to %scan3A_5 step %scan3A_6 iter_args(%scan3A_17 = %broadcast_in_dim3A_3, %scan3A_18 = %broadcast_in_dim3A_3) -> (vector<16xf32>, vector<16xf32>)  : i32 {
      %mul3A_19 = arith.constant 16 : i32
      %mul3A_20 = arith.muli %scan3A_16, %mul3A_19 : i32
      %get3A = arith.index_cast %mul3A_20 : i32 to index
      %get3A_21 = tpu.vector_load %arg6[%get3A] {strides = array<i32>} : memref<3136xf32, #tpu.memory_space<vmem>>, vector<16xf32>,
      %get3A_22 = vector.shape_cast %get3A_21 : vector<16xf32> to vector<16xf32>
      %mul3A_23 = arith.constant 16 : i32
      %mul3A_24 = arith.muli %scan3A_16, %mul3A_23 : i32
      %get3A_25 = arith.index_cast %mul3A_24 : i32 to index
      %get3A_26 = tpu.vector_load %arg7[%get3A_25] {strides = array<i32>} : memref<3136xf32, #tpu.memory_space<vmem>>, vector<16xf32>,
      %get3A_27 = vector.shape_cast %get3A_26 : vector<16xf32> to vector<16xf32>
      %mul3A_28 = arith.mulf %get3A_22, %get3A_27 : vector<16xf32>
      %add3A_29 = arith.addf %scan3A_17, %mul3A_28 : vector<16xf32>
      %add3A_30 = arith.addf %scan3A_18, %get3A_22 : vector<16xf32>
      scf.yield %add3A_29, %add3A_30 : vector<16xf32>, vector<16xf32>
    }
    %scan3A_8 = arith.constant 196 : i32
    %swap3A = arith.constant 0 : index
    %swap3A_9 = tpu.vector_load %arg8[%swap3A] {strides = array<i32>} : memref<16xf32, #tpu.memory_space<vmem>>, vector<16xf32>,
    %swap3A_10 = vector.shape_cast %swap3A_9 : vector<16xf32> to vector<16xf32>
    %swap3A_11 = vector.shape_cast %scan3A_7#0 : vector<16xf32> to vector<16xf32>
    tpu.vector_store %arg8[%swap3A], %swap3A_11 {strides = array<i32>} : memref<16xf32, #tpu.memory_space<vmem>>, vector<16xf32>,
    %swap3A_12 = arith.constant 0 : index
    %swap3A_13 = tpu.vector_load %arg9[%swap3A_12] {strides = array<i32>} : memref<16xf32, #tpu.memory_space<vmem>>, vector<16xf32>,
    %swap3A_14 = vector.shape_cast %swap3A_13 : vector<16xf32> to vector<16xf32>
    %swap3A_15 = vector.shape_cast %scan3A_7#1 : vector<16xf32> to vector<16xf32>
    tpu.vector_store %arg9[%swap3A_12], %swap3A_15 {strides = array<i32>} : memref<16xf32, #tpu.memory_space<vmem>>, vector<16xf32>,
    "tpu.region"() ({
      %run_scoped3A = tpu.sem_alloc : memref<!tpu.dma_semaphore, #tpu.memory_space<semaphore_mem>>
      %dma_start3A = arith.constant 0 : i32
      %dma_start3A_16 = tpu.memref_slice %arg4[%add3A, %dma_start3A] : memref<32x16xf32, #tpu.memory_space<hbm>> -> memref<1x16xf32, #tpu.memory_space<hbm>>
      %dma_start3A_17 = tpu.memref_squeeze %dma_start3A_16 : memref<1x16xf32, #tpu.memory_space<hbm>> -> memref<16xf32, #tpu.memory_space<hbm>>
      %dma_start3A_18 = arith.constant 0 : i32
      %dma_start3A_19 = tpu.memref_slice %arg4[%add3A, %dma_start3A_18] : memref<32x16xf32, #tpu.memory_space<hbm>> -> memref<1x16xf32, #tpu.memory_space<hbm>>
      %dma_start3A_20 = tpu.memref_squeeze %dma_start3A_19 : memref<1x16xf32, #tpu.memory_space<hbm>> -> memref<16xf32, #tpu.memory_space<hbm>>
      tpu.enqueue_dma source(%arg8 : memref<16xf32, #tpu.memory_space<vmem>>) target(%dma_start3A_20 : memref<16xf32, #tpu.memory_space<hbm>>) target_semaphore(%run_scoped3A : memref<!tpu.dma_semaphore, #tpu.memory_space<semaphore_mem>>)
      %dma_wait3A = arith.constant 0 : i32
      %dma_wait3A_21 = tpu.memref_slice %arg4[%add3A, %dma_wait3A] : memref<32x16xf32, #tpu.memory_space<hbm>> -> memref<1x16xf32, #tpu.memory_space<hbm>>
      %dma_wait3A_22 = tpu.memref_squeeze %dma_wait3A_21 : memref<1x16xf32, #tpu.memory_space<hbm>> -> memref<16xf32, #tpu.memory_space<hbm>>
      %dma_wait3A_23 = arith.constant 0 : i32
      %dma_wait3A_24 = tpu.memref_slice %arg4[%add3A, %dma_wait3A_23] : memref<32x16xf32, #tpu.memory_space<hbm>> -> memref<1x16xf32, #tpu.memory_space<hbm>>
      %dma_wait3A_25 = tpu.memref_squeeze %dma_wait3A_24 : memref<1x16xf32, #tpu.memory_space<hbm>> -> memref<16xf32, #tpu.memory_space<hbm>>
      tpu.wait_dma2 semaphore(%run_scoped3A : memref<!tpu.dma_semaphore, #tpu.memory_space<semaphore_mem>>) src(%arg8 : memref<16xf32, #tpu.memory_space<vmem>>) dst(%dma_wait3A_25 : memref<16xf32, #tpu.memory_space<hbm>>)
      tpu.yield
    }) : () -> ()
    "tpu.region"() ({
      %run_scoped3A = tpu.sem_alloc : memref<!tpu.dma_semaphore, #tpu.memory_space<semaphore_mem>>
      %dma_start3A = arith.constant 0 : i32
      %dma_start3A_16 = tpu.memref_slice %arg5[%add3A, %dma_start3A] : memref<32x16xf32, #tpu.memory_space<hbm>> -> memref<1x16xf32, #tpu.memory_space<hbm>>
      %dma_start3A_17 = tpu.memref_squeeze %dma_start3A_16 : memref<1x16xf32, #tpu.memory_space<hbm>> -> memref<16xf32, #tpu.memory_space<hbm>>
      %dma_start3A_18 = arith.constant 0 : i32
      %dma_start3A_19 = tpu.memref_slice %arg5[%add3A, %dma_start3A_18] : memref<32x16xf32, #tpu.memory_space<hbm>> -> memref<1x16xf32, #tpu.memory_space<hbm>>
      %dma_start3A_20 = tpu.memref_squeeze %dma_start3A_19 : memref<1x16xf32, #tpu.memory_space<hbm>> -> memref<16xf32, #tpu.memory_space<hbm>>
      tpu.enqueue_dma source(%arg9 : memref<16xf32, #tpu.memory_space<vmem>>) target(%dma_start3A_20 : memref<16xf32, #tpu.memory_space<hbm>>) target_semaphore(%run_scoped3A : memref<!tpu.dma_semaphore, #tpu.memory_space<semaphore_mem>>)
      %dma_wait3A = arith.constant 0 : i32
      %dma_wait3A_21 = tpu.memref_slice %arg5[%add3A, %dma_wait3A] : memref<32x16xf32, #tpu.memory_space<hbm>> -> memref<1x16xf32, #tpu.memory_space<hbm>>
      %dma_wait3A_22 = tpu.memref_squeeze %dma_wait3A_21 : memref<1x16xf32, #tpu.memory_space<hbm>> -> memref<16xf32, #tpu.memory_space<hbm>>
      %dma_wait3A_23 = arith.constant 0 : i32
      %dma_wait3A_24 = tpu.memref_slice %arg5[%add3A, %dma_wait3A_23] : memref<32x16xf32, #tpu.memory_space<hbm>> -> memref<1x16xf32, #tpu.memory_space<hbm>>
      %dma_wait3A_25 = tpu.memref_squeeze %dma_wait3A_24 : memref<1x16xf32, #tpu.memory_space<hbm>> -> memref<16xf32, #tpu.memory_space<hbm>>
      tpu.wait_dma2 semaphore(%run_scoped3A : memref<!tpu.dma_semaphore, #tpu.memory_space<semaphore_mem>>) src(%arg9 : memref<16xf32, #tpu.memory_space<vmem>>) dst(%dma_wait3A_25 : memref<16xf32, #tpu.memory_space<hbm>>)
      tpu.yield
    }) : () -> ()
    return
  }
}

module attributes {stable_mosaic.version = 14 : i64} {
  func.func @_tc_body(%arg0: i32, %arg1: memref<1024x128xf32, #tpu.memory_space<vmem>>, %arg2: memref<14336x128xf32, #tpu.memory_space<vmem>>, %arg3: memref<1x14336xf32, #tpu.memory_space<vmem>>, %arg4: memref<1x1xf32, #tpu.memory_space<vmem>>, %arg5: memref<1024x128xf32, #tpu.memory_space<vmem>>, %arg6: memref<1024x128xbf16, #tpu.memory_space<vmem>>) attributes {dimension_semantics = [#tpu.dimension_semantics<arbitrary>], iteration_bounds = array<i64: 7>, scalar_prefetch = 0 : i64, scratch_operands = 2 : i64, tpu.core_type = #tpu.core_type<tc>, window_params = [{pipeline_mode = #tpu.pipeline_mode<synchronous>, transform_indices = @transform_0, window_bounds = array<i64: 1024, 128>}, {transform_indices = @transform_1, window_bounds = array<i64: 14336, 128>}, {transform_indices = @transform_2, window_bounds = array<i64: 1, 14336>}, {pipeline_mode = #tpu.pipeline_mode<synchronous>, transform_indices = @transform_3, window_bounds = array<i64: 1, 1>}]} {
    %eq3A = arith.constant 0 : i32
    %eq3A_0 = arith.cmpi eq, %arg0, %eq3A : i32
    %convert_element_type3A = arith.extui %eq3A_0 : i1 to i32
    %cond3A = arith.constant 0 : i32
    %cond3A_1 = arith.cmpi ne, %convert_element_type3A, %cond3A : i32
    scf.if %cond3A_1 {
      %broadcast_in_dim3A_22 = arith.constant 0x7F800000 : f32
      %broadcast_in_dim3A_23 = vector.broadcast %broadcast_in_dim3A_22 : f32 to vector<1024x128xf32>
      %swap3A = arith.constant 0 : index
      %swap3A_24 = arith.constant 0 : index
      %swap3A_25 = vector.load %arg5[%swap3A, %swap3A_24] : memref<1024x128xf32, #tpu.memory_space<vmem>>, vector<1024x128xf32>
      tpu.vector_store %arg5[%swap3A, %swap3A_24], %broadcast_in_dim3A_23 {strides = array<i32>} : memref<1024x128xf32, #tpu.memory_space<vmem>>, vector<1024x128xf32>,
      %get3A_26 = arith.constant 0 : index
      %get3A_27 = arith.constant 0 : index
      %get3A_28 = vector.load %arg1[%get3A_26, %get3A_27] : memref<1024x128xf32, #tpu.memory_space<vmem>>, vector<1024x128xf32>
      %mul3A_29 = arith.constant -2.000000e+00 : f32
      %mul3A_30 = vector.broadcast %mul3A_29 : f32 to vector<1024x128xf32>
      %mul3A_31 = arith.mulf %mul3A_30, %get3A_28 : vector<1024x128xf32>
      %convert_element_type3A_32 = arith.truncf %mul3A_31 : vector<1024x128xf32> to vector<1024x128xbf16>
      %swap3A_33 = arith.constant 0 : index
      %swap3A_34 = arith.constant 0 : index
      %swap3A_35 = vector.load %arg6[%swap3A_33, %swap3A_34] : memref<1024x128xbf16, #tpu.memory_space<vmem>>, vector<1024x128xbf16>
      tpu.vector_store %arg6[%swap3A_33, %swap3A_34], %convert_element_type3A_32 {strides = array<i32>} : memref<1024x128xbf16, #tpu.memory_space<vmem>>, vector<1024x128xbf16>,
    } else {
    }
    %get3A = arith.constant 0 : index
    %get3A_2 = arith.constant 0 : index
    %get3A_3 = vector.load %arg6[%get3A, %get3A_2] : memref<1024x128xbf16, #tpu.memory_space<vmem>>, vector<1024x128xbf16>
    %broadcast_in_dim3A = arith.constant 1.000000e+00 : f32
    %broadcast_in_dim3A_4 = vector.broadcast %broadcast_in_dim3A : f32 to vector<8x128xf32>
    %get3A_5 = arith.constant 0 : index
    %get3A_6 = arith.constant 0 : index
    %get3A_7 = vector.load %arg3[%get3A_5, %get3A_6] : memref<1x14336xf32, #tpu.memory_space<vmem>>, vector<1x14336xf32>
    %iota3A = tpu.iota {dimensions = array<i32: 1>} : vector<1x14336xi32>
    %mul3A = arith.constant 14336 : i32
    %mul3A_8 = arith.muli %arg0, %mul3A : i32
    %add3A = vector.broadcast %mul3A_8 : i32 to vector<1x14336xi32>
    %add3A_9 = arith.addi %add3A, %iota3A : vector<1x14336xi32>
    %lt3A = arith.constant 100000 : i32
    %lt3A_10 = vector.broadcast %lt3A : i32 to vector<1x14336xi32>
    %lt3A_11 = arith.cmpi slt, %add3A_9, %lt3A_10 : vector<1x14336xi32>
    %lt3A_12 = arith.constant 6 : i32
    %lt3A_13 = arith.cmpi slt, %arg0, %lt3A_12 : i32
    %convert_element_type3A_14 = arith.extui %lt3A_13 : i1 to i32
    %cond3A_15 = arith.constant 0 : i32
    %cond3A_16 = arith.cmpi ne, %convert_element_type3A_14, %cond3A_15 : i32
    scf.if %cond3A_16 {
      %get3A_22 = arith.constant 0 : index
      %get3A_23 = arith.constant 0 : index
      %get3A_24 = vector.load %arg5[%get3A_22, %get3A_23] : memref<1024x128xf32, #tpu.memory_space<vmem>>, vector<1024x128xf32>
      %get3A_25 = arith.constant 0 : index
      %get3A_26 = arith.constant 0 : index
      %get3A_27 = vector.load %arg2[%get3A_25, %get3A_26] : memref<14336x128xf32, #tpu.memory_space<vmem>>, vector<14336x128xf32>
      %convert_element_type3A_28 = arith.truncf %get3A_27 : vector<14336x128xf32> to vector<14336x128xbf16>
      %mul3A_29 = arith.mulf %convert_element_type3A_28, %convert_element_type3A_28 : vector<14336x128xbf16>
      %convert_element_type3A_30 = arith.truncf %broadcast_in_dim3A_4 : vector<8x128xf32> to vector<8x128xbf16>
      %dot_general3A = arith.constant dense<0.000000e+00> : vector<8x14336xf32>
      %dot_general3A_31 = tpu.matmul %convert_element_type3A_30, %mul3A_29, %dot_general3A {dimension_numbers = #tpu.dot_dimension_numbers<[1], [1], [0], [0], [0, 0, 1, 0], [], []>, transpose_lhs_hint = false} : vector<8x128xbf16>, vector<14336x128xbf16>, vector<8x14336xf32> -> vector<8x14336xf32>
      %slice3A = vector.extract_strided_slice %dot_general3A_31 {offsets = [0, 0], sizes = [1, 14336], strides = [1, 1]} : vector<8x14336xf32> to vector<1x14336xf32>
      %sub3A = arith.subf %slice3A, %get3A_7 : vector<1x14336xf32>
      %convert_element_type3A_32 = arith.truncf %sub3A : vector<1x14336xf32> to vector<1x14336xbf16>
      %slice3A_33 = vector.extract_strided_slice %convert_element_type3A_28 {offsets = [0, 0], sizes = [2048, 128], strides = [1, 1]} : vector<14336x128xbf16> to vector<2048x128xbf16>
      %dot_general3A_34 = arith.constant dense<0.000000e+00> : vector<1024x2048xf32>
      %dot_general3A_35 = tpu.matmul %get3A_3, %slice3A_33, %dot_general3A_34 {dimension_numbers = #tpu.dot_dimension_numbers<[1], [1], [0], [0], [0, 0, 1, 0], [], []>, transpose_lhs_hint = false} : vector<1024x128xbf16>, vector<2048x128xbf16>, vector<1024x2048xf32> -> vector<1024x2048xf32>
      %convert_element_type3A_36 = arith.truncf %dot_general3A_35 : vector<1024x2048xf32> to vector<1024x2048xbf16>
      %slice3A_37 = vector.extract_strided_slice %convert_element_type3A_32 {offsets = [0, 0], sizes = [1, 2048], strides = [1, 1]} : vector<1x14336xbf16> to vector<1x2048xbf16>
      %add3A_38 = vector.broadcast %slice3A_37 : vector<1x2048xbf16> to vector<1024x2048xbf16>
      %add3A_39 = arith.addf %convert_element_type3A_36, %add3A_38 : vector<1024x2048xbf16>
      %slice3A_40 = vector.extract_strided_slice %add3A_39 {offsets = [0, 0], sizes = [1024, 128], strides = [1, 1]} : vector<1024x2048xbf16> to vector<1024x128xbf16>
      %slice3A_41 = vector.extract_strided_slice %add3A_39 {offsets = [0, 128], sizes = [1024, 128], strides = [1, 1]} : vector<1024x2048xbf16> to vector<1024x128xbf16>
      %min3A = arith.minimumf %slice3A_40, %slice3A_41 : vector<1024x128xbf16>
      %slice3A_42 = vector.extract_strided_slice %add3A_39 {offsets = [0, 256], sizes = [1024, 128], strides = [1, 1]} : vector<1024x2048xbf16> to vector<1024x128xbf16>
      %min3A_43 = arith.minimumf %min3A, %slice3A_42 : vector<1024x128xbf16>
      %slice3A_44 = vector.extract_strided_slice %add3A_39 {offsets = [0, 384], sizes = [1024, 128], strides = [1, 1]} : vector<1024x2048xbf16> to vector<1024x128xbf16>
      %min3A_45 = arith.minimumf %min3A_43, %slice3A_44 : vector<1024x128xbf16>
      %slice3A_46 = vector.extract_strided_slice %add3A_39 {offsets = [0, 512], sizes = [1024, 128], strides = [1, 1]} : vector<1024x2048xbf16> to vector<1024x128xbf16>
      %min3A_47 = arith.minimumf %min3A_45, %slice3A_46 : vector<1024x128xbf16>
      %slice3A_48 = vector.extract_strided_slice %add3A_39 {offsets = [0, 640], sizes = [1024, 128], strides = [1, 1]} : vector<1024x2048xbf16> to vector<1024x128xbf16>
      %min3A_49 = arith.minimumf %min3A_47, %slice3A_48 : vector<1024x128xbf16>
      %slice3A_50 = vector.extract_strided_slice %add3A_39 {offsets = [0, 768], sizes = [1024, 128], strides = [1, 1]} : vector<1024x2048xbf16> to vector<1024x128xbf16>
      %min3A_51 = arith.minimumf %min3A_49, %slice3A_50 : vector<1024x128xbf16>
      %slice3A_52 = vector.extract_strided_slice %add3A_39 {offsets = [0, 896], sizes = [1024, 128], strides = [1, 1]} : vector<1024x2048xbf16> to vector<1024x128xbf16>
      %min3A_53 = arith.minimumf %min3A_51, %slice3A_52 : vector<1024x128xbf16>
      %slice3A_54 = vector.extract_strided_slice %add3A_39 {offsets = [0, 1024], sizes = [1024, 128], strides = [1, 1]} : vector<1024x2048xbf16> to vector<1024x128xbf16>
      %min3A_55 = arith.minimumf %min3A_53, %slice3A_54 : vector<1024x128xbf16>
      %slice3A_56 = vector.extract_strided_slice %add3A_39 {offsets = [0, 1152], sizes = [1024, 128], strides = [1, 1]} : vector<1024x2048xbf16> to vector<1024x128xbf16>
      %min3A_57 = arith.minimumf %min3A_55, %slice3A_56 : vector<1024x128xbf16>
      %slice3A_58 = vector.extract_strided_slice %add3A_39 {offsets = [0, 1280], sizes = [1024, 128], strides = [1, 1]} : vector<1024x2048xbf16> to vector<1024x128xbf16>
      %min3A_59 = arith.minimumf %min3A_57, %slice3A_58 : vector<1024x128xbf16>
      %slice3A_60 = vector.extract_strided_slice %add3A_39 {offsets = [0, 1408], sizes = [1024, 128], strides = [1, 1]} : vector<1024x2048xbf16> to vector<1024x128xbf16>
      %min3A_61 = arith.minimumf %min3A_59, %slice3A_60 : vector<1024x128xbf16>
      %slice3A_62 = vector.extract_strided_slice %add3A_39 {offsets = [0, 1536], sizes = [1024, 128], strides = [1, 1]} : vector<1024x2048xbf16> to vector<1024x128xbf16>
      %min3A_63 = arith.minimumf %min3A_61, %slice3A_62 : vector<1024x128xbf16>
      %slice3A_64 = vector.extract_strided_slice %add3A_39 {offsets = [0, 1664], sizes = [1024, 128], strides = [1, 1]} : vector<1024x2048xbf16> to vector<1024x128xbf16>
      %min3A_65 = arith.minimumf %min3A_63, %slice3A_64 : vector<1024x128xbf16>
      %slice3A_66 = vector.extract_strided_slice %add3A_39 {offsets = [0, 1792], sizes = [1024, 128], strides = [1, 1]} : vector<1024x2048xbf16> to vector<1024x128xbf16>
      %min3A_67 = arith.minimumf %min3A_65, %slice3A_66 : vector<1024x128xbf16>
      %slice3A_68 = vector.extract_strided_slice %add3A_39 {offsets = [0, 1920], sizes = [1024, 128], strides = [1, 1]} : vector<1024x2048xbf16> to vector<1024x128xbf16>
      %min3A_69 = arith.minimumf %min3A_67, %slice3A_68 : vector<1024x128xbf16>
      %slice3A_70 = vector.extract_strided_slice %convert_element_type3A_28 {offsets = [2048, 0], sizes = [2048, 128], strides = [1, 1]} : vector<14336x128xbf16> to vector<2048x128xbf16>
      %dot_general3A_71 = arith.constant dense<0.000000e+00> : vector<1024x2048xf32>
      %dot_general3A_72 = tpu.matmul %get3A_3, %slice3A_70, %dot_general3A_71 {dimension_numbers = #tpu.dot_dimension_numbers<[1], [1], [0], [0], [0, 0, 1, 0], [], []>, transpose_lhs_hint = false} : vector<1024x128xbf16>, vector<2048x128xbf16>, vector<1024x2048xf32> -> vector<1024x2048xf32>
      %convert_element_type3A_73 = arith.truncf %dot_general3A_72 : vector<1024x2048xf32> to vector<1024x2048xbf16>
      %slice3A_74 = vector.extract_strided_slice %convert_element_type3A_32 {offsets = [0, 2048], sizes = [1, 2048], strides = [1, 1]} : vector<1x14336xbf16> to vector<1x2048xbf16>
      %add3A_75 = vector.broadcast %slice3A_74 : vector<1x2048xbf16> to vector<1024x2048xbf16>
      %add3A_76 = arith.addf %convert_element_type3A_73, %add3A_75 : vector<1024x2048xbf16>
      %slice3A_77 = vector.extract_strided_slice %add3A_76 {offsets = [0, 0], sizes = [1024, 128], strides = [1, 1]} : vector<1024x2048xbf16> to vector<1024x128xbf16>
      %slice3A_78 = vector.extract_strided_slice %add3A_76 {offsets = [0, 128], sizes = [1024, 128], strides = [1, 1]} : vector<1024x2048xbf16> to vector<1024x128xbf16>
      %min3A_79 = arith.minimumf %slice3A_77, %slice3A_78 : vector<1024x128xbf16>
      %slice3A_80 = vector.extract_strided_slice %add3A_76 {offsets = [0, 256], sizes = [1024, 128], strides = [1, 1]} : vector<1024x2048xbf16> to vector<1024x128xbf16>
      %min3A_81 = arith.minimumf %min3A_79, %slice3A_80 : vector<1024x128xbf16>
      %slice3A_82 = vector.extract_strided_slice %add3A_76 {offsets = [0, 384], sizes = [1024, 128], strides = [1, 1]} : vector<1024x2048xbf16> to vector<1024x128xbf16>
      %min3A_83 = arith.minimumf %min3A_81, %slice3A_82 : vector<1024x128xbf16>
      %slice3A_84 = vector.extract_strided_slice %add3A_76 {offsets = [0, 512], sizes = [1024, 128], strides = [1, 1]} : vector<1024x2048xbf16> to vector<1024x128xbf16>
      %min3A_85 = arith.minimumf %min3A_83, %slice3A_84 : vector<1024x128xbf16>
      %slice3A_86 = vector.extract_strided_slice %add3A_76 {offsets = [0, 640], sizes = [1024, 128], strides = [1, 1]} : vector<1024x2048xbf16> to vector<1024x128xbf16>
      %min3A_87 = arith.minimumf %min3A_85, %slice3A_86 : vector<1024x128xbf16>
      %slice3A_88 = vector.extract_strided_slice %add3A_76 {offsets = [0, 768], sizes = [1024, 128], strides = [1, 1]} : vector<1024x2048xbf16> to vector<1024x128xbf16>
      %min3A_89 = arith.minimumf %min3A_87, %slice3A_88 : vector<1024x128xbf16>
      %slice3A_90 = vector.extract_strided_slice %add3A_76 {offsets = [0, 896], sizes = [1024, 128], strides = [1, 1]} : vector<1024x2048xbf16> to vector<1024x128xbf16>
      %min3A_91 = arith.minimumf %min3A_89, %slice3A_90 : vector<1024x128xbf16>
      %slice3A_92 = vector.extract_strided_slice %add3A_76 {offsets = [0, 1024], sizes = [1024, 128], strides = [1, 1]} : vector<1024x2048xbf16> to vector<1024x128xbf16>
      %min3A_93 = arith.minimumf %min3A_91, %slice3A_92 : vector<1024x128xbf16>
      %slice3A_94 = vector.extract_strided_slice %add3A_76 {offsets = [0, 1152], sizes = [1024, 128], strides = [1, 1]} : vector<1024x2048xbf16> to vector<1024x128xbf16>
      %min3A_95 = arith.minimumf %min3A_93, %slice3A_94 : vector<1024x128xbf16>
      %slice3A_96 = vector.extract_strided_slice %add3A_76 {offsets = [0, 1280], sizes = [1024, 128], strides = [1, 1]} : vector<1024x2048xbf16> to vector<1024x128xbf16>
      %min3A_97 = arith.minimumf %min3A_95, %slice3A_96 : vector<1024x128xbf16>
      %slice3A_98 = vector.extract_strided_slice %add3A_76 {offsets = [0, 1408], sizes = [1024, 128], strides = [1, 1]} : vector<1024x2048xbf16> to vector<1024x128xbf16>
      %min3A_99 = arith.minimumf %min3A_97, %slice3A_98 : vector<1024x128xbf16>
      %slice3A_100 = vector.extract_strided_slice %add3A_76 {offsets = [0, 1536], sizes = [1024, 128], strides = [1, 1]} : vector<1024x2048xbf16> to vector<1024x128xbf16>
      %min3A_101 = arith.minimumf %min3A_99, %slice3A_100 : vector<1024x128xbf16>
      %slice3A_102 = vector.extract_strided_slice %add3A_76 {offsets = [0, 1664], sizes = [1024, 128], strides = [1, 1]} : vector<1024x2048xbf16> to vector<1024x128xbf16>
      %min3A_103 = arith.minimumf %min3A_101, %slice3A_102 : vector<1024x128xbf16>
      %slice3A_104 = vector.extract_strided_slice %add3A_76 {offsets = [0, 1792], sizes = [1024, 128], strides = [1, 1]} : vector<1024x2048xbf16> to vector<1024x128xbf16>
      %min3A_105 = arith.minimumf %min3A_103, %slice3A_104 : vector<1024x128xbf16>
      %slice3A_106 = vector.extract_strided_slice %add3A_76 {offsets = [0, 1920], sizes = [1024, 128], strides = [1, 1]} : vector<1024x2048xbf16> to vector<1024x128xbf16>
      %min3A_107 = arith.minimumf %min3A_105, %slice3A_106 : vector<1024x128xbf16>
      %min3A_108 = arith.minimumf %min3A_69, %min3A_107 : vector<1024x128xbf16>
      %slice3A_109 = vector.extract_strided_slice %convert_element_type3A_28 {offsets = [4096, 0], sizes = [2048, 128], strides = [1, 1]} : vector<14336x128xbf16> to vector<2048x128xbf16>
      %dot_general3A_110 = arith.constant dense<0.000000e+00> : vector<1024x2048xf32>
      %dot_general3A_111 = tpu.matmul %get3A_3, %slice3A_109, %dot_general3A_110 {dimension_numbers = #tpu.dot_dimension_numbers<[1], [1], [0], [0], [0, 0, 1, 0], [], []>, transpose_lhs_hint = false} : vector<1024x128xbf16>, vector<2048x128xbf16>, vector<1024x2048xf32> -> vector<1024x2048xf32>
      %convert_element_type3A_112 = arith.truncf %dot_general3A_111 : vector<1024x2048xf32> to vector<1024x2048xbf16>
      %slice3A_113 = vector.extract_strided_slice %convert_element_type3A_32 {offsets = [0, 4096], sizes = [1, 2048], strides = [1, 1]} : vector<1x14336xbf16> to vector<1x2048xbf16>
      %add3A_114 = vector.broadcast %slice3A_113 : vector<1x2048xbf16> to vector<1024x2048xbf16>
      %add3A_115 = arith.addf %convert_element_type3A_112, %add3A_114 : vector<1024x2048xbf16>
      %slice3A_116 = vector.extract_strided_slice %add3A_115 {offsets = [0, 0], sizes = [1024, 128], strides = [1, 1]} : vector<1024x2048xbf16> to vector<1024x128xbf16>
      %slice3A_117 = vector.extract_strided_slice %add3A_115 {offsets = [0, 128], sizes = [1024, 128], strides = [1, 1]} : vector<1024x2048xbf16> to vector<1024x128xbf16>
      %min3A_118 = arith.minimumf %slice3A_116, %slice3A_117 : vector<1024x128xbf16>
      %slice3A_119 = vector.extract_strided_slice %add3A_115 {offsets = [0, 256], sizes = [1024, 128], strides = [1, 1]} : vector<1024x2048xbf16> to vector<1024x128xbf16>
      %min3A_120 = arith.minimumf %min3A_118, %slice3A_119 : vector<1024x128xbf16>
      %slice3A_121 = vector.extract_strided_slice %add3A_115 {offsets = [0, 384], sizes = [1024, 128], strides = [1, 1]} : vector<1024x2048xbf16> to vector<1024x128xbf16>
      %min3A_122 = arith.minimumf %min3A_120, %slice3A_121 : vector<1024x128xbf16>
      %slice3A_123 = vector.extract_strided_slice %add3A_115 {offsets = [0, 512], sizes = [1024, 128], strides = [1, 1]} : vector<1024x2048xbf16> to vector<1024x128xbf16>
      %min3A_124 = arith.minimumf %min3A_122, %slice3A_123 : vector<1024x128xbf16>
      %slice3A_125 = vector.extract_strided_slice %add3A_115 {offsets = [0, 640], sizes = [1024, 128], strides = [1, 1]} : vector<1024x2048xbf16> to vector<1024x128xbf16>
      %min3A_126 = arith.minimumf %min3A_124, %slice3A_125 : vector<1024x128xbf16>
      %slice3A_127 = vector.extract_strided_slice %add3A_115 {offsets = [0, 768], sizes = [1024, 128], strides = [1, 1]} : vector<1024x2048xbf16> to vector<1024x128xbf16>
      %min3A_128 = arith.minimumf %min3A_126, %slice3A_127 : vector<1024x128xbf16>
      %slice3A_129 = vector.extract_strided_slice %add3A_115 {offsets = [0, 896], sizes = [1024, 128], strides = [1, 1]} : vector<1024x2048xbf16> to vector<1024x128xbf16>
      %min3A_130 = arith.minimumf %min3A_128, %slice3A_129 : vector<1024x128xbf16>
      %slice3A_131 = vector.extract_strided_slice %add3A_115 {offsets = [0, 1024], sizes = [1024, 128], strides = [1, 1]} : vector<1024x2048xbf16> to vector<1024x128xbf16>
      %min3A_132 = arith.minimumf %min3A_130, %slice3A_131 : vector<1024x128xbf16>
      %slice3A_133 = vector.extract_strided_slice %add3A_115 {offsets = [0, 1152], sizes = [1024, 128], strides = [1, 1]} : vector<1024x2048xbf16> to vector<1024x128xbf16>
      %min3A_134 = arith.minimumf %min3A_132, %slice3A_133 : vector<1024x128xbf16>
      %slice3A_135 = vector.extract_strided_slice %add3A_115 {offsets = [0, 1280], sizes = [1024, 128], strides = [1, 1]} : vector<1024x2048xbf16> to vector<1024x128xbf16>
      %min3A_136 = arith.minimumf %min3A_134, %slice3A_135 : vector<1024x128xbf16>
      %slice3A_137 = vector.extract_strided_slice %add3A_115 {offsets = [0, 1408], sizes = [1024, 128], strides = [1, 1]} : vector<1024x2048xbf16> to vector<1024x128xbf16>
      %min3A_138 = arith.minimumf %min3A_136, %slice3A_137 : vector<1024x128xbf16>
      %slice3A_139 = vector.extract_strided_slice %add3A_115 {offsets = [0, 1536], sizes = [1024, 128], strides = [1, 1]} : vector<1024x2048xbf16> to vector<1024x128xbf16>
      %min3A_140 = arith.minimumf %min3A_138, %slice3A_139 : vector<1024x128xbf16>
      %slice3A_141 = vector.extract_strided_slice %add3A_115 {offsets = [0, 1664], sizes = [1024, 128], strides = [1, 1]} : vector<1024x2048xbf16> to vector<1024x128xbf16>
      %min3A_142 = arith.minimumf %min3A_140, %slice3A_141 : vector<1024x128xbf16>
      %slice3A_143 = vector.extract_strided_slice %add3A_115 {offsets = [0, 1792], sizes = [1024, 128], strides = [1, 1]} : vector<1024x2048xbf16> to vector<1024x128xbf16>
      %min3A_144 = arith.minimumf %min3A_142, %slice3A_143 : vector<1024x128xbf16>
      %slice3A_145 = vector.extract_strided_slice %add3A_115 {offsets = [0, 1920], sizes = [1024, 128], strides = [1, 1]} : vector<1024x2048xbf16> to vector<1024x128xbf16>
      %min3A_146 = arith.minimumf %min3A_144, %slice3A_145 : vector<1024x128xbf16>
      %min3A_147 = arith.minimumf %min3A_108, %min3A_146 : vector<1024x128xbf16>
      %slice3A_148 = vector.extract_strided_slice %convert_element_type3A_28 {offsets = [6144, 0], sizes = [2048, 128], strides = [1, 1]} : vector<14336x128xbf16> to vector<2048x128xbf16>
      %dot_general3A_149 = arith.constant dense<0.000000e+00> : vector<1024x2048xf32>
      %dot_general3A_150 = tpu.matmul %get3A_3, %slice3A_148, %dot_general3A_149 {dimension_numbers = #tpu.dot_dimension_numbers<[1], [1], [0], [0], [0, 0, 1, 0], [], []>, transpose_lhs_hint = false} : vector<1024x128xbf16>, vector<2048x128xbf16>, vector<1024x2048xf32> -> vector<1024x2048xf32>
      %convert_element_type3A_151 = arith.truncf %dot_general3A_150 : vector<1024x2048xf32> to vector<1024x2048xbf16>
      %slice3A_152 = vector.extract_strided_slice %convert_element_type3A_32 {offsets = [0, 6144], sizes = [1, 2048], strides = [1, 1]} : vector<1x14336xbf16> to vector<1x2048xbf16>
      %add3A_153 = vector.broadcast %slice3A_152 : vector<1x2048xbf16> to vector<1024x2048xbf16>
      %add3A_154 = arith.addf %convert_element_type3A_151, %add3A_153 : vector<1024x2048xbf16>
      %slice3A_155 = vector.extract_strided_slice %add3A_154 {offsets = [0, 0], sizes = [1024, 128], strides = [1, 1]} : vector<1024x2048xbf16> to vector<1024x128xbf16>
      %slice3A_156 = vector.extract_strided_slice %add3A_154 {offsets = [0, 128], sizes = [1024, 128], strides = [1, 1]} : vector<1024x2048xbf16> to vector<1024x128xbf16>
      %min3A_157 = arith.minimumf %slice3A_155, %slice3A_156 : vector<1024x128xbf16>
      %slice3A_158 = vector.extract_strided_slice %add3A_154 {offsets = [0, 256], sizes = [1024, 128], strides = [1, 1]} : vector<1024x2048xbf16> to vector<1024x128xbf16>
      %min3A_159 = arith.minimumf %min3A_157, %slice3A_158 : vector<1024x128xbf16>
      %slice3A_160 = vector.extract_strided_slice %add3A_154 {offsets = [0, 384], sizes = [1024, 128], strides = [1, 1]} : vector<1024x2048xbf16> to vector<1024x128xbf16>
      %min3A_161 = arith.minimumf %min3A_159, %slice3A_160 : vector<1024x128xbf16>
      %slice3A_162 = vector.extract_strided_slice %add3A_154 {offsets = [0, 512], sizes = [1024, 128], strides = [1, 1]} : vector<1024x2048xbf16> to vector<1024x128xbf16>
      %min3A_163 = arith.minimumf %min3A_161, %slice3A_162 : vector<1024x128xbf16>
      %slice3A_164 = vector.extract_strided_slice %add3A_154 {offsets = [0, 640], sizes = [1024, 128], strides = [1, 1]} : vector<1024x2048xbf16> to vector<1024x128xbf16>
      %min3A_165 = arith.minimumf %min3A_163, %slice3A_164 : vector<1024x128xbf16>
      %slice3A_166 = vector.extract_strided_slice %add3A_154 {offsets = [0, 768], sizes = [1024, 128], strides = [1, 1]} : vector<1024x2048xbf16> to vector<1024x128xbf16>
      %min3A_167 = arith.minimumf %min3A_165, %slice3A_166 : vector<1024x128xbf16>
      %slice3A_168 = vector.extract_strided_slice %add3A_154 {offsets = [0, 896], sizes = [1024, 128], strides = [1, 1]} : vector<1024x2048xbf16> to vector<1024x128xbf16>
      %min3A_169 = arith.minimumf %min3A_167, %slice3A_168 : vector<1024x128xbf16>
      %slice3A_170 = vector.extract_strided_slice %add3A_154 {offsets = [0, 1024], sizes = [1024, 128], strides = [1, 1]} : vector<1024x2048xbf16> to vector<1024x128xbf16>
      %min3A_171 = arith.minimumf %min3A_169, %slice3A_170 : vector<1024x128xbf16>
      %slice3A_172 = vector.extract_strided_slice %add3A_154 {offsets = [0, 1152], sizes = [1024, 128], strides = [1, 1]} : vector<1024x2048xbf16> to vector<1024x128xbf16>
      %min3A_173 = arith.minimumf %min3A_171, %slice3A_172 : vector<1024x128xbf16>
      %slice3A_174 = vector.extract_strided_slice %add3A_154 {offsets = [0, 1280], sizes = [1024, 128], strides = [1, 1]} : vector<1024x2048xbf16> to vector<1024x128xbf16>
      %min3A_175 = arith.minimumf %min3A_173, %slice3A_174 : vector<1024x128xbf16>
      %slice3A_176 = vector.extract_strided_slice %add3A_154 {offsets = [0, 1408], sizes = [1024, 128], strides = [1, 1]} : vector<1024x2048xbf16> to vector<1024x128xbf16>
      %min3A_177 = arith.minimumf %min3A_175, %slice3A_176 : vector<1024x128xbf16>
      %slice3A_178 = vector.extract_strided_slice %add3A_154 {offsets = [0, 1536], sizes = [1024, 128], strides = [1, 1]} : vector<1024x2048xbf16> to vector<1024x128xbf16>
      %min3A_179 = arith.minimumf %min3A_177, %slice3A_178 : vector<1024x128xbf16>
      %slice3A_180 = vector.extract_strided_slice %add3A_154 {offsets = [0, 1664], sizes = [1024, 128], strides = [1, 1]} : vector<1024x2048xbf16> to vector<1024x128xbf16>
      %min3A_181 = arith.minimumf %min3A_179, %slice3A_180 : vector<1024x128xbf16>
      %slice3A_182 = vector.extract_strided_slice %add3A_154 {offsets = [0, 1792], sizes = [1024, 128], strides = [1, 1]} : vector<1024x2048xbf16> to vector<1024x128xbf16>
      %min3A_183 = arith.minimumf %min3A_181, %slice3A_182 : vector<1024x128xbf16>
      %slice3A_184 = vector.extract_strided_slice %add3A_154 {offsets = [0, 1920], sizes = [1024, 128], strides = [1, 1]} : vector<1024x2048xbf16> to vector<1024x128xbf16>
      %min3A_185 = arith.minimumf %min3A_183, %slice3A_184 : vector<1024x128xbf16>
      %min3A_186 = arith.minimumf %min3A_147, %min3A_185 : vector<1024x128xbf16>
      %slice3A_187 = vector.extract_strided_slice %convert_element_type3A_28 {offsets = [8192, 0], sizes = [2048, 128], strides = [1, 1]} : vector<14336x128xbf16> to vector<2048x128xbf16>
      %dot_general3A_188 = arith.constant dense<0.000000e+00> : vector<1024x2048xf32>
      %dot_general3A_189 = tpu.matmul %get3A_3, %slice3A_187, %dot_general3A_188 {dimension_numbers = #tpu.dot_dimension_numbers<[1], [1], [0], [0], [0, 0, 1, 0], [], []>, transpose_lhs_hint = false} : vector<1024x128xbf16>, vector<2048x128xbf16>, vector<1024x2048xf32> -> vector<1024x2048xf32>
      %convert_element_type3A_190 = arith.truncf %dot_general3A_189 : vector<1024x2048xf32> to vector<1024x2048xbf16>
      %slice3A_191 = vector.extract_strided_slice %convert_element_type3A_32 {offsets = [0, 8192], sizes = [1, 2048], strides = [1, 1]} : vector<1x14336xbf16> to vector<1x2048xbf16>
      %add3A_192 = vector.broadcast %slice3A_191 : vector<1x2048xbf16> to vector<1024x2048xbf16>
      %add3A_193 = arith.addf %convert_element_type3A_190, %add3A_192 : vector<1024x2048xbf16>
      %slice3A_194 = vector.extract_strided_slice %add3A_193 {offsets = [0, 0], sizes = [1024, 128], strides = [1, 1]} : vector<1024x2048xbf16> to vector<1024x128xbf16>
      %slice3A_195 = vector.extract_strided_slice %add3A_193 {offsets = [0, 128], sizes = [1024, 128], strides = [1, 1]} : vector<1024x2048xbf16> to vector<1024x128xbf16>
      %min3A_196 = arith.minimumf %slice3A_194, %slice3A_195 : vector<1024x128xbf16>
      %slice3A_197 = vector.extract_strided_slice %add3A_193 {offsets = [0, 256], sizes = [1024, 128], strides = [1, 1]} : vector<1024x2048xbf16> to vector<1024x128xbf16>
      %min3A_198 = arith.minimumf %min3A_196, %slice3A_197 : vector<1024x128xbf16>
      %slice3A_199 = vector.extract_strided_slice %add3A_193 {offsets = [0, 384], sizes = [1024, 128], strides = [1, 1]} : vector<1024x2048xbf16> to vector<1024x128xbf16>
      %min3A_200 = arith.minimumf %min3A_198, %slice3A_199 : vector<1024x128xbf16>
      %slice3A_201 = vector.extract_strided_slice %add3A_193 {offsets = [0, 512], sizes = [1024, 128], strides = [1, 1]} : vector<1024x2048xbf16> to vector<1024x128xbf16>
      %min3A_202 = arith.minimumf %min3A_200, %slice3A_201 : vector<1024x128xbf16>
      %slice3A_203 = vector.extract_strided_slice %add3A_193 {offsets = [0, 640], sizes = [1024, 128], strides = [1, 1]} : vector<1024x2048xbf16> to vector<1024x128xbf16>
      %min3A_204 = arith.minimumf %min3A_202, %slice3A_203 : vector<1024x128xbf16>
      %slice3A_205 = vector.extract_strided_slice %add3A_193 {offsets = [0, 768], sizes = [1024, 128], strides = [1, 1]} : vector<1024x2048xbf16> to vector<1024x128xbf16>
      %min3A_206 = arith.minimumf %min3A_204, %slice3A_205 : vector<1024x128xbf16>
      %slice3A_207 = vector.extract_strided_slice %add3A_193 {offsets = [0, 896], sizes = [1024, 128], strides = [1, 1]} : vector<1024x2048xbf16> to vector<1024x128xbf16>
      %min3A_208 = arith.minimumf %min3A_206, %slice3A_207 : vector<1024x128xbf16>
      %slice3A_209 = vector.extract_strided_slice %add3A_193 {offsets = [0, 1024], sizes = [1024, 128], strides = [1, 1]} : vector<1024x2048xbf16> to vector<1024x128xbf16>
      %min3A_210 = arith.minimumf %min3A_208, %slice3A_209 : vector<1024x128xbf16>
      %slice3A_211 = vector.extract_strided_slice %add3A_193 {offsets = [0, 1152], sizes = [1024, 128], strides = [1, 1]} : vector<1024x2048xbf16> to vector<1024x128xbf16>
      %min3A_212 = arith.minimumf %min3A_210, %slice3A_211 : vector<1024x128xbf16>
      %slice3A_213 = vector.extract_strided_slice %add3A_193 {offsets = [0, 1280], sizes = [1024, 128], strides = [1, 1]} : vector<1024x2048xbf16> to vector<1024x128xbf16>
      %min3A_214 = arith.minimumf %min3A_212, %slice3A_213 : vector<1024x128xbf16>
      %slice3A_215 = vector.extract_strided_slice %add3A_193 {offsets = [0, 1408], sizes = [1024, 128], strides = [1, 1]} : vector<1024x2048xbf16> to vector<1024x128xbf16>
      %min3A_216 = arith.minimumf %min3A_214, %slice3A_215 : vector<1024x128xbf16>
      %slice3A_217 = vector.extract_strided_slice %add3A_193 {offsets = [0, 1536], sizes = [1024, 128], strides = [1, 1]} : vector<1024x2048xbf16> to vector<1024x128xbf16>
      %min3A_218 = arith.minimumf %min3A_216, %slice3A_217 : vector<1024x128xbf16>
      %slice3A_219 = vector.extract_strided_slice %add3A_193 {offsets = [0, 1664], sizes = [1024, 128], strides = [1, 1]} : vector<1024x2048xbf16> to vector<1024x128xbf16>
      %min3A_220 = arith.minimumf %min3A_218, %slice3A_219 : vector<1024x128xbf16>
      %slice3A_221 = vector.extract_strided_slice %add3A_193 {offsets = [0, 1792], sizes = [1024, 128], strides = [1, 1]} : vector<1024x2048xbf16> to vector<1024x128xbf16>
      %min3A_222 = arith.minimumf %min3A_220, %slice3A_221 : vector<1024x128xbf16>
      %slice3A_223 = vector.extract_strided_slice %add3A_193 {offsets = [0, 1920], sizes = [1024, 128], strides = [1, 1]} : vector<1024x2048xbf16> to vector<1024x128xbf16>
      %min3A_224 = arith.minimumf %min3A_222, %slice3A_223 : vector<1024x128xbf16>
      %min3A_225 = arith.minimumf %min3A_186, %min3A_224 : vector<1024x128xbf16>
      %slice3A_226 = vector.extract_strided_slice %convert_element_type3A_28 {offsets = [10240, 0], sizes = [2048, 128], strides = [1, 1]} : vector<14336x128xbf16> to vector<2048x128xbf16>
      %dot_general3A_227 = arith.constant dense<0.000000e+00> : vector<1024x2048xf32>
      %dot_general3A_228 = tpu.matmul %get3A_3, %slice3A_226, %dot_general3A_227 {dimension_numbers = #tpu.dot_dimension_numbers<[1], [1], [0], [0], [0, 0, 1, 0], [], []>, transpose_lhs_hint = false} : vector<1024x128xbf16>, vector<2048x128xbf16>, vector<1024x2048xf32> -> vector<1024x2048xf32>
      %convert_element_type3A_229 = arith.truncf %dot_general3A_228 : vector<1024x2048xf32> to vector<1024x2048xbf16>
      %slice3A_230 = vector.extract_strided_slice %convert_element_type3A_32 {offsets = [0, 10240], sizes = [1, 2048], strides = [1, 1]} : vector<1x14336xbf16> to vector<1x2048xbf16>
      %add3A_231 = vector.broadcast %slice3A_230 : vector<1x2048xbf16> to vector<1024x2048xbf16>
      %add3A_232 = arith.addf %convert_element_type3A_229, %add3A_231 : vector<1024x2048xbf16>
      %slice3A_233 = vector.extract_strided_slice %add3A_232 {offsets = [0, 0], sizes = [1024, 128], strides = [1, 1]} : vector<1024x2048xbf16> to vector<1024x128xbf16>
      %slice3A_234 = vector.extract_strided_slice %add3A_232 {offsets = [0, 128], sizes = [1024, 128], strides = [1, 1]} : vector<1024x2048xbf16> to vector<1024x128xbf16>
      %min3A_235 = arith.minimumf %slice3A_233, %slice3A_234 : vector<1024x128xbf16>
      %slice3A_236 = vector.extract_strided_slice %add3A_232 {offsets = [0, 256], sizes = [1024, 128], strides = [1, 1]} : vector<1024x2048xbf16> to vector<1024x128xbf16>
      %min3A_237 = arith.minimumf %min3A_235, %slice3A_236 : vector<1024x128xbf16>
      %slice3A_238 = vector.extract_strided_slice %add3A_232 {offsets = [0, 384], sizes = [1024, 128], strides = [1, 1]} : vector<1024x2048xbf16> to vector<1024x128xbf16>
      %min3A_239 = arith.minimumf %min3A_237, %slice3A_238 : vector<1024x128xbf16>
      %slice3A_240 = vector.extract_strided_slice %add3A_232 {offsets = [0, 512], sizes = [1024, 128], strides = [1, 1]} : vector<1024x2048xbf16> to vector<1024x128xbf16>
      %min3A_241 = arith.minimumf %min3A_239, %slice3A_240 : vector<1024x128xbf16>
      %slice3A_242 = vector.extract_strided_slice %add3A_232 {offsets = [0, 640], sizes = [1024, 128], strides = [1, 1]} : vector<1024x2048xbf16> to vector<1024x128xbf16>
      %min3A_243 = arith.minimumf %min3A_241, %slice3A_242 : vector<1024x128xbf16>
      %slice3A_244 = vector.extract_strided_slice %add3A_232 {offsets = [0, 768], sizes = [1024, 128], strides = [1, 1]} : vector<1024x2048xbf16> to vector<1024x128xbf16>
      %min3A_245 = arith.minimumf %min3A_243, %slice3A_244 : vector<1024x128xbf16>
      %slice3A_246 = vector.extract_strided_slice %add3A_232 {offsets = [0, 896], sizes = [1024, 128], strides = [1, 1]} : vector<1024x2048xbf16> to vector<1024x128xbf16>
      %min3A_247 = arith.minimumf %min3A_245, %slice3A_246 : vector<1024x128xbf16>
      %slice3A_248 = vector.extract_strided_slice %add3A_232 {offsets = [0, 1024], sizes = [1024, 128], strides = [1, 1]} : vector<1024x2048xbf16> to vector<1024x128xbf16>
      %min3A_249 = arith.minimumf %min3A_247, %slice3A_248 : vector<1024x128xbf16>
      %slice3A_250 = vector.extract_strided_slice %add3A_232 {offsets = [0, 1152], sizes = [1024, 128], strides = [1, 1]} : vector<1024x2048xbf16> to vector<1024x128xbf16>
      %min3A_251 = arith.minimumf %min3A_249, %slice3A_250 : vector<1024x128xbf16>
      %slice3A_252 = vector.extract_strided_slice %add3A_232 {offsets = [0, 1280], sizes = [1024, 128], strides = [1, 1]} : vector<1024x2048xbf16> to vector<1024x128xbf16>
      %min3A_253 = arith.minimumf %min3A_251, %slice3A_252 : vector<1024x128xbf16>
      %slice3A_254 = vector.extract_strided_slice %add3A_232 {offsets = [0, 1408], sizes = [1024, 128], strides = [1, 1]} : vector<1024x2048xbf16> to vector<1024x128xbf16>
      %min3A_255 = arith.minimumf %min3A_253, %slice3A_254 : vector<1024x128xbf16>
      %slice3A_256 = vector.extract_strided_slice %add3A_232 {offsets = [0, 1536], sizes = [1024, 128], strides = [1, 1]} : vector<1024x2048xbf16> to vector<1024x128xbf16>
      %min3A_257 = arith.minimumf %min3A_255, %slice3A_256 : vector<1024x128xbf16>
      %slice3A_258 = vector.extract_strided_slice %add3A_232 {offsets = [0, 1664], sizes = [1024, 128], strides = [1, 1]} : vector<1024x2048xbf16> to vector<1024x128xbf16>
      %min3A_259 = arith.minimumf %min3A_257, %slice3A_258 : vector<1024x128xbf16>
      %slice3A_260 = vector.extract_strided_slice %add3A_232 {offsets = [0, 1792], sizes = [1024, 128], strides = [1, 1]} : vector<1024x2048xbf16> to vector<1024x128xbf16>
      %min3A_261 = arith.minimumf %min3A_259, %slice3A_260 : vector<1024x128xbf16>
      %slice3A_262 = vector.extract_strided_slice %add3A_232 {offsets = [0, 1920], sizes = [1024, 128], strides = [1, 1]} : vector<1024x2048xbf16> to vector<1024x128xbf16>
      %min3A_263 = arith.minimumf %min3A_261, %slice3A_262 : vector<1024x128xbf16>
      %min3A_264 = arith.minimumf %min3A_225, %min3A_263 : vector<1024x128xbf16>
      %slice3A_265 = vector.extract_strided_slice %convert_element_type3A_28 {offsets = [12288, 0], sizes = [2048, 128], strides = [1, 1]} : vector<14336x128xbf16> to vector<2048x128xbf16>
      %dot_general3A_266 = arith.constant dense<0.000000e+00> : vector<1024x2048xf32>
      %dot_general3A_267 = tpu.matmul %get3A_3, %slice3A_265, %dot_general3A_266 {dimension_numbers = #tpu.dot_dimension_numbers<[1], [1], [0], [0], [0, 0, 1, 0], [], []>, transpose_lhs_hint = false} : vector<1024x128xbf16>, vector<2048x128xbf16>, vector<1024x2048xf32> -> vector<1024x2048xf32>
      %convert_element_type3A_268 = arith.truncf %dot_general3A_267 : vector<1024x2048xf32> to vector<1024x2048xbf16>
      %slice3A_269 = vector.extract_strided_slice %convert_element_type3A_32 {offsets = [0, 12288], sizes = [1, 2048], strides = [1, 1]} : vector<1x14336xbf16> to vector<1x2048xbf16>
      %add3A_270 = vector.broadcast %slice3A_269 : vector<1x2048xbf16> to vector<1024x2048xbf16>
      %add3A_271 = arith.addf %convert_element_type3A_268, %add3A_270 : vector<1024x2048xbf16>
      %slice3A_272 = vector.extract_strided_slice %add3A_271 {offsets = [0, 0], sizes = [1024, 128], strides = [1, 1]} : vector<1024x2048xbf16> to vector<1024x128xbf16>
      %slice3A_273 = vector.extract_strided_slice %add3A_271 {offsets = [0, 128], sizes = [1024, 128], strides = [1, 1]} : vector<1024x2048xbf16> to vector<1024x128xbf16>
      %min3A_274 = arith.minimumf %slice3A_272, %slice3A_273 : vector<1024x128xbf16>
      %slice3A_275 = vector.extract_strided_slice %add3A_271 {offsets = [0, 256], sizes = [1024, 128], strides = [1, 1]} : vector<1024x2048xbf16> to vector<1024x128xbf16>
      %min3A_276 = arith.minimumf %min3A_274, %slice3A_275 : vector<1024x128xbf16>
      %slice3A_277 = vector.extract_strided_slice %add3A_271 {offsets = [0, 384], sizes = [1024, 128], strides = [1, 1]} : vector<1024x2048xbf16> to vector<1024x128xbf16>
      %min3A_278 = arith.minimumf %min3A_276, %slice3A_277 : vector<1024x128xbf16>
      %slice3A_279 = vector.extract_strided_slice %add3A_271 {offsets = [0, 512], sizes = [1024, 128], strides = [1, 1]} : vector<1024x2048xbf16> to vector<1024x128xbf16>
      %min3A_280 = arith.minimumf %min3A_278, %slice3A_279 : vector<1024x128xbf16>
      %slice3A_281 = vector.extract_strided_slice %add3A_271 {offsets = [0, 640], sizes = [1024, 128], strides = [1, 1]} : vector<1024x2048xbf16> to vector<1024x128xbf16>
      %min3A_282 = arith.minimumf %min3A_280, %slice3A_281 : vector<1024x128xbf16>
      %slice3A_283 = vector.extract_strided_slice %add3A_271 {offsets = [0, 768], sizes = [1024, 128], strides = [1, 1]} : vector<1024x2048xbf16> to vector<1024x128xbf16>
      %min3A_284 = arith.minimumf %min3A_282, %slice3A_283 : vector<1024x128xbf16>
      %slice3A_285 = vector.extract_strided_slice %add3A_271 {offsets = [0, 896], sizes = [1024, 128], strides = [1, 1]} : vector<1024x2048xbf16> to vector<1024x128xbf16>
      %min3A_286 = arith.minimumf %min3A_284, %slice3A_285 : vector<1024x128xbf16>
      %slice3A_287 = vector.extract_strided_slice %add3A_271 {offsets = [0, 1024], sizes = [1024, 128], strides = [1, 1]} : vector<1024x2048xbf16> to vector<1024x128xbf16>
      %min3A_288 = arith.minimumf %min3A_286, %slice3A_287 : vector<1024x128xbf16>
      %slice3A_289 = vector.extract_strided_slice %add3A_271 {offsets = [0, 1152], sizes = [1024, 128], strides = [1, 1]} : vector<1024x2048xbf16> to vector<1024x128xbf16>
      %min3A_290 = arith.minimumf %min3A_288, %slice3A_289 : vector<1024x128xbf16>
      %slice3A_291 = vector.extract_strided_slice %add3A_271 {offsets = [0, 1280], sizes = [1024, 128], strides = [1, 1]} : vector<1024x2048xbf16> to vector<1024x128xbf16>
      %min3A_292 = arith.minimumf %min3A_290, %slice3A_291 : vector<1024x128xbf16>
      %slice3A_293 = vector.extract_strided_slice %add3A_271 {offsets = [0, 1408], sizes = [1024, 128], strides = [1, 1]} : vector<1024x2048xbf16> to vector<1024x128xbf16>
      %min3A_294 = arith.minimumf %min3A_292, %slice3A_293 : vector<1024x128xbf16>
      %slice3A_295 = vector.extract_strided_slice %add3A_271 {offsets = [0, 1536], sizes = [1024, 128], strides = [1, 1]} : vector<1024x2048xbf16> to vector<1024x128xbf16>
      %min3A_296 = arith.minimumf %min3A_294, %slice3A_295 : vector<1024x128xbf16>
      %slice3A_297 = vector.extract_strided_slice %add3A_271 {offsets = [0, 1664], sizes = [1024, 128], strides = [1, 1]} : vector<1024x2048xbf16> to vector<1024x128xbf16>
      %min3A_298 = arith.minimumf %min3A_296, %slice3A_297 : vector<1024x128xbf16>
      %slice3A_299 = vector.extract_strided_slice %add3A_271 {offsets = [0, 1792], sizes = [1024, 128], strides = [1, 1]} : vector<1024x2048xbf16> to vector<1024x128xbf16>
      %min3A_300 = arith.minimumf %min3A_298, %slice3A_299 : vector<1024x128xbf16>
      %slice3A_301 = vector.extract_strided_slice %add3A_271 {offsets = [0, 1920], sizes = [1024, 128], strides = [1, 1]} : vector<1024x2048xbf16> to vector<1024x128xbf16>
      %min3A_302 = arith.minimumf %min3A_300, %slice3A_301 : vector<1024x128xbf16>
      %min3A_303 = arith.minimumf %min3A_264, %min3A_302 : vector<1024x128xbf16>
      %convert_element_type3A_304 = arith.extf %min3A_303 : vector<1024x128xbf16> to vector<1024x128xf32>
      %min3A_305 = arith.minimumf %get3A_24, %convert_element_type3A_304 : vector<1024x128xf32>
      %swap3A = arith.constant 0 : index
      %swap3A_306 = arith.constant 0 : index
      %swap3A_307 = vector.load %arg5[%swap3A, %swap3A_306] : memref<1024x128xf32, #tpu.memory_space<vmem>>, vector<1024x128xf32>
      tpu.vector_store %arg5[%swap3A, %swap3A_306], %min3A_305 {strides = array<i32>} : memref<1024x128xf32, #tpu.memory_space<vmem>>, vector<1024x128xf32>,
    } else {
    }
    %eq3A_17 = arith.constant 6 : i32
    %eq3A_18 = arith.cmpi eq, %arg0, %eq3A_17 : i32
    %convert_element_type3A_19 = arith.extui %eq3A_18 : i1 to i32
    %cond3A_20 = arith.constant 0 : i32
    %cond3A_21 = arith.cmpi ne, %convert_element_type3A_19, %cond3A_20 : i32
    scf.if %cond3A_21 {
      %get3A_22 = arith.constant 0 : index
      %get3A_23 = arith.constant 0 : index
      %get3A_24 = vector.load %arg5[%get3A_22, %get3A_23] : memref<1024x128xf32, #tpu.memory_space<vmem>>, vector<1024x128xf32>
      %get3A_25 = arith.constant 0 : index
      %get3A_26 = arith.constant 0 : index
      %get3A_27 = vector.load %arg2[%get3A_25, %get3A_26] : memref<14336x128xf32, #tpu.memory_space<vmem>>, vector<14336x128xf32>
      %convert_element_type3A_28 = arith.truncf %get3A_27 : vector<14336x128xf32> to vector<14336x128xbf16>
      %mul3A_29 = arith.mulf %convert_element_type3A_28, %convert_element_type3A_28 : vector<14336x128xbf16>
      %convert_element_type3A_30 = arith.truncf %broadcast_in_dim3A_4 : vector<8x128xf32> to vector<8x128xbf16>
      %dot_general3A = arith.constant dense<0.000000e+00> : vector<8x14336xf32>
      %dot_general3A_31 = tpu.matmul %convert_element_type3A_30, %mul3A_29, %dot_general3A {dimension_numbers = #tpu.dot_dimension_numbers<[1], [1], [0], [0], [0, 0, 1, 0], [], []>, transpose_lhs_hint = false} : vector<8x128xbf16>, vector<14336x128xbf16>, vector<8x14336xf32> -> vector<8x14336xf32>
      %slice3A = vector.extract_strided_slice %dot_general3A_31 {offsets = [0, 0], sizes = [1, 14336], strides = [1, 1]} : vector<8x14336xf32> to vector<1x14336xf32>
      %sub3A = arith.subf %slice3A, %get3A_7 : vector<1x14336xf32>
      %convert_element_type3A_32 = arith.truncf %sub3A : vector<1x14336xf32> to vector<1x14336xbf16>
      %slice3A_33 = vector.extract_strided_slice %convert_element_type3A_28 {offsets = [0, 0], sizes = [2048, 128], strides = [1, 1]} : vector<14336x128xbf16> to vector<2048x128xbf16>
      %dot_general3A_34 = arith.constant dense<0.000000e+00> : vector<1024x2048xf32>
      %dot_general3A_35 = tpu.matmul %get3A_3, %slice3A_33, %dot_general3A_34 {dimension_numbers = #tpu.dot_dimension_numbers<[1], [1], [0], [0], [0, 0, 1, 0], [], []>, transpose_lhs_hint = false} : vector<1024x128xbf16>, vector<2048x128xbf16>, vector<1024x2048xf32> -> vector<1024x2048xf32>
      %convert_element_type3A_36 = arith.truncf %dot_general3A_35 : vector<1024x2048xf32> to vector<1024x2048xbf16>
      %slice3A_37 = vector.extract_strided_slice %convert_element_type3A_32 {offsets = [0, 0], sizes = [1, 2048], strides = [1, 1]} : vector<1x14336xbf16> to vector<1x2048xbf16>
      %add3A_38 = vector.broadcast %slice3A_37 : vector<1x2048xbf16> to vector<1024x2048xbf16>
      %add3A_39 = arith.addf %convert_element_type3A_36, %add3A_38 : vector<1024x2048xbf16>
      %slice3A_40 = vector.extract_strided_slice %lt3A_11 {offsets = [0, 0], sizes = [1, 2048], strides = [1, 1]} : vector<1x14336xi1> to vector<1x2048xi1>
      %jit3A = arith.constant 3.004060e+38 : bf16
      %broadcast_in_dim3A_41 = vector.shape_cast %slice3A_40 : vector<1x2048xi1> to vector<1x2048xi1>
      %broadcast_in_dim3A_42 = vector.broadcast %broadcast_in_dim3A_41 : vector<1x2048xi1> to vector<1024x2048xi1>
      %broadcast_in_dim3A_43 = vector.broadcast %jit3A : bf16 to vector<1024x2048xbf16>
      %select_n3A = arith.select %broadcast_in_dim3A_42, %add3A_39, %broadcast_in_dim3A_43 : vector<1024x2048xi1>, vector<1024x2048xbf16>
      %slice3A_44 = vector.extract_strided_slice %select_n3A {offsets = [0, 0], sizes = [1024, 128], strides = [1, 1]} : vector<1024x2048xbf16> to vector<1024x128xbf16>
      %slice3A_45 = vector.extract_strided_slice %select_n3A {offsets = [0, 128], sizes = [1024, 128], strides = [1, 1]} : vector<1024x2048xbf16> to vector<1024x128xbf16>
      %min3A = arith.minimumf %slice3A_44, %slice3A_45 : vector<1024x128xbf16>
      %slice3A_46 = vector.extract_strided_slice %select_n3A {offsets = [0, 256], sizes = [1024, 128], strides = [1, 1]} : vector<1024x2048xbf16> to vector<1024x128xbf16>
      %min3A_47 = arith.minimumf %min3A, %slice3A_46 : vector<1024x128xbf16>
      %slice3A_48 = vector.extract_strided_slice %select_n3A {offsets = [0, 384], sizes = [1024, 128], strides = [1, 1]} : vector<1024x2048xbf16> to vector<1024x128xbf16>
      %min3A_49 = arith.minimumf %min3A_47, %slice3A_48 : vector<1024x128xbf16>
      %slice3A_50 = vector.extract_strided_slice %select_n3A {offsets = [0, 512], sizes = [1024, 128], strides = [1, 1]} : vector<1024x2048xbf16> to vector<1024x128xbf16>
      %min3A_51 = arith.minimumf %min3A_49, %slice3A_50 : vector<1024x128xbf16>
      %slice3A_52 = vector.extract_strided_slice %select_n3A {offsets = [0, 640], sizes = [1024, 128], strides = [1, 1]} : vector<1024x2048xbf16> to vector<1024x128xbf16>
      %min3A_53 = arith.minimumf %min3A_51, %slice3A_52 : vector<1024x128xbf16>
      %slice3A_54 = vector.extract_strided_slice %select_n3A {offsets = [0, 768], sizes = [1024, 128], strides = [1, 1]} : vector<1024x2048xbf16> to vector<1024x128xbf16>
      %min3A_55 = arith.minimumf %min3A_53, %slice3A_54 : vector<1024x128xbf16>
      %slice3A_56 = vector.extract_strided_slice %select_n3A {offsets = [0, 896], sizes = [1024, 128], strides = [1, 1]} : vector<1024x2048xbf16> to vector<1024x128xbf16>
      %min3A_57 = arith.minimumf %min3A_55, %slice3A_56 : vector<1024x128xbf16>
      %slice3A_58 = vector.extract_strided_slice %select_n3A {offsets = [0, 1024], sizes = [1024, 128], strides = [1, 1]} : vector<1024x2048xbf16> to vector<1024x128xbf16>
      %min3A_59 = arith.minimumf %min3A_57, %slice3A_58 : vector<1024x128xbf16>
      %slice3A_60 = vector.extract_strided_slice %select_n3A {offsets = [0, 1152], sizes = [1024, 128], strides = [1, 1]} : vector<1024x2048xbf16> to vector<1024x128xbf16>
      %min3A_61 = arith.minimumf %min3A_59, %slice3A_60 : vector<1024x128xbf16>
      %slice3A_62 = vector.extract_strided_slice %select_n3A {offsets = [0, 1280], sizes = [1024, 128], strides = [1, 1]} : vector<1024x2048xbf16> to vector<1024x128xbf16>
      %min3A_63 = arith.minimumf %min3A_61, %slice3A_62 : vector<1024x128xbf16>
      %slice3A_64 = vector.extract_strided_slice %select_n3A {offsets = [0, 1408], sizes = [1024, 128], strides = [1, 1]} : vector<1024x2048xbf16> to vector<1024x128xbf16>
      %min3A_65 = arith.minimumf %min3A_63, %slice3A_64 : vector<1024x128xbf16>
      %slice3A_66 = vector.extract_strided_slice %select_n3A {offsets = [0, 1536], sizes = [1024, 128], strides = [1, 1]} : vector<1024x2048xbf16> to vector<1024x128xbf16>
      %min3A_67 = arith.minimumf %min3A_65, %slice3A_66 : vector<1024x128xbf16>
      %slice3A_68 = vector.extract_strided_slice %select_n3A {offsets = [0, 1664], sizes = [1024, 128], strides = [1, 1]} : vector<1024x2048xbf16> to vector<1024x128xbf16>
      %min3A_69 = arith.minimumf %min3A_67, %slice3A_68 : vector<1024x128xbf16>
      %slice3A_70 = vector.extract_strided_slice %select_n3A {offsets = [0, 1792], sizes = [1024, 128], strides = [1, 1]} : vector<1024x2048xbf16> to vector<1024x128xbf16>
      %min3A_71 = arith.minimumf %min3A_69, %slice3A_70 : vector<1024x128xbf16>
      %slice3A_72 = vector.extract_strided_slice %select_n3A {offsets = [0, 1920], sizes = [1024, 128], strides = [1, 1]} : vector<1024x2048xbf16> to vector<1024x128xbf16>
      %min3A_73 = arith.minimumf %min3A_71, %slice3A_72 : vector<1024x128xbf16>
      %slice3A_74 = vector.extract_strided_slice %convert_element_type3A_28 {offsets = [2048, 0], sizes = [2048, 128], strides = [1, 1]} : vector<14336x128xbf16> to vector<2048x128xbf16>
      %dot_general3A_75 = arith.constant dense<0.000000e+00> : vector<1024x2048xf32>
      %dot_general3A_76 = tpu.matmul %get3A_3, %slice3A_74, %dot_general3A_75 {dimension_numbers = #tpu.dot_dimension_numbers<[1], [1], [0], [0], [0, 0, 1, 0], [], []>, transpose_lhs_hint = false} : vector<1024x128xbf16>, vector<2048x128xbf16>, vector<1024x2048xf32> -> vector<1024x2048xf32>
      %convert_element_type3A_77 = arith.truncf %dot_general3A_76 : vector<1024x2048xf32> to vector<1024x2048xbf16>
      %slice3A_78 = vector.extract_strided_slice %convert_element_type3A_32 {offsets = [0, 2048], sizes = [1, 2048], strides = [1, 1]} : vector<1x14336xbf16> to vector<1x2048xbf16>
      %add3A_79 = vector.broadcast %slice3A_78 : vector<1x2048xbf16> to vector<1024x2048xbf16>
      %add3A_80 = arith.addf %convert_element_type3A_77, %add3A_79 : vector<1024x2048xbf16>
      %slice3A_81 = vector.extract_strided_slice %lt3A_11 {offsets = [0, 2048], sizes = [1, 2048], strides = [1, 1]} : vector<1x14336xi1> to vector<1x2048xi1>
      %jit3A_82 = arith.constant 3.004060e+38 : bf16
      %broadcast_in_dim3A_83 = vector.shape_cast %slice3A_81 : vector<1x2048xi1> to vector<1x2048xi1>
      %broadcast_in_dim3A_84 = vector.broadcast %broadcast_in_dim3A_83 : vector<1x2048xi1> to vector<1024x2048xi1>
      %broadcast_in_dim3A_85 = vector.broadcast %jit3A_82 : bf16 to vector<1024x2048xbf16>
      %select_n3A_86 = arith.select %broadcast_in_dim3A_84, %add3A_80, %broadcast_in_dim3A_85 : vector<1024x2048xi1>, vector<1024x2048xbf16>
      %slice3A_87 = vector.extract_strided_slice %select_n3A_86 {offsets = [0, 0], sizes = [1024, 128], strides = [1, 1]} : vector<1024x2048xbf16> to vector<1024x128xbf16>
      %slice3A_88 = vector.extract_strided_slice %select_n3A_86 {offsets = [0, 128], sizes = [1024, 128], strides = [1, 1]} : vector<1024x2048xbf16> to vector<1024x128xbf16>
      %min3A_89 = arith.minimumf %slice3A_87, %slice3A_88 : vector<1024x128xbf16>
      %slice3A_90 = vector.extract_strided_slice %select_n3A_86 {offsets = [0, 256], sizes = [1024, 128], strides = [1, 1]} : vector<1024x2048xbf16> to vector<1024x128xbf16>
      %min3A_91 = arith.minimumf %min3A_89, %slice3A_90 : vector<1024x128xbf16>
      %slice3A_92 = vector.extract_strided_slice %select_n3A_86 {offsets = [0, 384], sizes = [1024, 128], strides = [1, 1]} : vector<1024x2048xbf16> to vector<1024x128xbf16>
      %min3A_93 = arith.minimumf %min3A_91, %slice3A_92 : vector<1024x128xbf16>
      %slice3A_94 = vector.extract_strided_slice %select_n3A_86 {offsets = [0, 512], sizes = [1024, 128], strides = [1, 1]} : vector<1024x2048xbf16> to vector<1024x128xbf16>
      %min3A_95 = arith.minimumf %min3A_93, %slice3A_94 : vector<1024x128xbf16>
      %slice3A_96 = vector.extract_strided_slice %select_n3A_86 {offsets = [0, 640], sizes = [1024, 128], strides = [1, 1]} : vector<1024x2048xbf16> to vector<1024x128xbf16>
      %min3A_97 = arith.minimumf %min3A_95, %slice3A_96 : vector<1024x128xbf16>
      %slice3A_98 = vector.extract_strided_slice %select_n3A_86 {offsets = [0, 768], sizes = [1024, 128], strides = [1, 1]} : vector<1024x2048xbf16> to vector<1024x128xbf16>
      %min3A_99 = arith.minimumf %min3A_97, %slice3A_98 : vector<1024x128xbf16>
      %slice3A_100 = vector.extract_strided_slice %select_n3A_86 {offsets = [0, 896], sizes = [1024, 128], strides = [1, 1]} : vector<1024x2048xbf16> to vector<1024x128xbf16>
      %min3A_101 = arith.minimumf %min3A_99, %slice3A_100 : vector<1024x128xbf16>
      %slice3A_102 = vector.extract_strided_slice %select_n3A_86 {offsets = [0, 1024], sizes = [1024, 128], strides = [1, 1]} : vector<1024x2048xbf16> to vector<1024x128xbf16>
      %min3A_103 = arith.minimumf %min3A_101, %slice3A_102 : vector<1024x128xbf16>
      %slice3A_104 = vector.extract_strided_slice %select_n3A_86 {offsets = [0, 1152], sizes = [1024, 128], strides = [1, 1]} : vector<1024x2048xbf16> to vector<1024x128xbf16>
      %min3A_105 = arith.minimumf %min3A_103, %slice3A_104 : vector<1024x128xbf16>
      %slice3A_106 = vector.extract_strided_slice %select_n3A_86 {offsets = [0, 1280], sizes = [1024, 128], strides = [1, 1]} : vector<1024x2048xbf16> to vector<1024x128xbf16>
      %min3A_107 = arith.minimumf %min3A_105, %slice3A_106 : vector<1024x128xbf16>
      %slice3A_108 = vector.extract_strided_slice %select_n3A_86 {offsets = [0, 1408], sizes = [1024, 128], strides = [1, 1]} : vector<1024x2048xbf16> to vector<1024x128xbf16>
      %min3A_109 = arith.minimumf %min3A_107, %slice3A_108 : vector<1024x128xbf16>
      %slice3A_110 = vector.extract_strided_slice %select_n3A_86 {offsets = [0, 1536], sizes = [1024, 128], strides = [1, 1]} : vector<1024x2048xbf16> to vector<1024x128xbf16>
      %min3A_111 = arith.minimumf %min3A_109, %slice3A_110 : vector<1024x128xbf16>
      %slice3A_112 = vector.extract_strided_slice %select_n3A_86 {offsets = [0, 1664], sizes = [1024, 128], strides = [1, 1]} : vector<1024x2048xbf16> to vector<1024x128xbf16>
      %min3A_113 = arith.minimumf %min3A_111, %slice3A_112 : vector<1024x128xbf16>
      %slice3A_114 = vector.extract_strided_slice %select_n3A_86 {offsets = [0, 1792], sizes = [1024, 128], strides = [1, 1]} : vector<1024x2048xbf16> to vector<1024x128xbf16>
      %min3A_115 = arith.minimumf %min3A_113, %slice3A_114 : vector<1024x128xbf16>
      %slice3A_116 = vector.extract_strided_slice %select_n3A_86 {offsets = [0, 1920], sizes = [1024, 128], strides = [1, 1]} : vector<1024x2048xbf16> to vector<1024x128xbf16>
      %min3A_117 = arith.minimumf %min3A_115, %slice3A_116 : vector<1024x128xbf16>
      %min3A_118 = arith.minimumf %min3A_73, %min3A_117 : vector<1024x128xbf16>
      %slice3A_119 = vector.extract_strided_slice %convert_element_type3A_28 {offsets = [4096, 0], sizes = [2048, 128], strides = [1, 1]} : vector<14336x128xbf16> to vector<2048x128xbf16>
      %dot_general3A_120 = arith.constant dense<0.000000e+00> : vector<1024x2048xf32>
      %dot_general3A_121 = tpu.matmul %get3A_3, %slice3A_119, %dot_general3A_120 {dimension_numbers = #tpu.dot_dimension_numbers<[1], [1], [0], [0], [0, 0, 1, 0], [], []>, transpose_lhs_hint = false} : vector<1024x128xbf16>, vector<2048x128xbf16>, vector<1024x2048xf32> -> vector<1024x2048xf32>
      %convert_element_type3A_122 = arith.truncf %dot_general3A_121 : vector<1024x2048xf32> to vector<1024x2048xbf16>
      %slice3A_123 = vector.extract_strided_slice %convert_element_type3A_32 {offsets = [0, 4096], sizes = [1, 2048], strides = [1, 1]} : vector<1x14336xbf16> to vector<1x2048xbf16>
      %add3A_124 = vector.broadcast %slice3A_123 : vector<1x2048xbf16> to vector<1024x2048xbf16>
      %add3A_125 = arith.addf %convert_element_type3A_122, %add3A_124 : vector<1024x2048xbf16>
      %slice3A_126 = vector.extract_strided_slice %lt3A_11 {offsets = [0, 4096], sizes = [1, 2048], strides = [1, 1]} : vector<1x14336xi1> to vector<1x2048xi1>
      %jit3A_127 = arith.constant 3.004060e+38 : bf16
      %broadcast_in_dim3A_128 = vector.shape_cast %slice3A_126 : vector<1x2048xi1> to vector<1x2048xi1>
      %broadcast_in_dim3A_129 = vector.broadcast %broadcast_in_dim3A_128 : vector<1x2048xi1> to vector<1024x2048xi1>
      %broadcast_in_dim3A_130 = vector.broadcast %jit3A_127 : bf16 to vector<1024x2048xbf16>
      %select_n3A_131 = arith.select %broadcast_in_dim3A_129, %add3A_125, %broadcast_in_dim3A_130 : vector<1024x2048xi1>, vector<1024x2048xbf16>
      %slice3A_132 = vector.extract_strided_slice %select_n3A_131 {offsets = [0, 0], sizes = [1024, 128], strides = [1, 1]} : vector<1024x2048xbf16> to vector<1024x128xbf16>
      %slice3A_133 = vector.extract_strided_slice %select_n3A_131 {offsets = [0, 128], sizes = [1024, 128], strides = [1, 1]} : vector<1024x2048xbf16> to vector<1024x128xbf16>
      %min3A_134 = arith.minimumf %slice3A_132, %slice3A_133 : vector<1024x128xbf16>
      %slice3A_135 = vector.extract_strided_slice %select_n3A_131 {offsets = [0, 256], sizes = [1024, 128], strides = [1, 1]} : vector<1024x2048xbf16> to vector<1024x128xbf16>
      %min3A_136 = arith.minimumf %min3A_134, %slice3A_135 : vector<1024x128xbf16>
      %slice3A_137 = vector.extract_strided_slice %select_n3A_131 {offsets = [0, 384], sizes = [1024, 128], strides = [1, 1]} : vector<1024x2048xbf16> to vector<1024x128xbf16>
      %min3A_138 = arith.minimumf %min3A_136, %slice3A_137 : vector<1024x128xbf16>
      %slice3A_139 = vector.extract_strided_slice %select_n3A_131 {offsets = [0, 512], sizes = [1024, 128], strides = [1, 1]} : vector<1024x2048xbf16> to vector<1024x128xbf16>
      %min3A_140 = arith.minimumf %min3A_138, %slice3A_139 : vector<1024x128xbf16>
      %slice3A_141 = vector.extract_strided_slice %select_n3A_131 {offsets = [0, 640], sizes = [1024, 128], strides = [1, 1]} : vector<1024x2048xbf16> to vector<1024x128xbf16>
      %min3A_142 = arith.minimumf %min3A_140, %slice3A_141 : vector<1024x128xbf16>
      %slice3A_143 = vector.extract_strided_slice %select_n3A_131 {offsets = [0, 768], sizes = [1024, 128], strides = [1, 1]} : vector<1024x2048xbf16> to vector<1024x128xbf16>
      %min3A_144 = arith.minimumf %min3A_142, %slice3A_143 : vector<1024x128xbf16>
      %slice3A_145 = vector.extract_strided_slice %select_n3A_131 {offsets = [0, 896], sizes = [1024, 128], strides = [1, 1]} : vector<1024x2048xbf16> to vector<1024x128xbf16>
      %min3A_146 = arith.minimumf %min3A_144, %slice3A_145 : vector<1024x128xbf16>
      %slice3A_147 = vector.extract_strided_slice %select_n3A_131 {offsets = [0, 1024], sizes = [1024, 128], strides = [1, 1]} : vector<1024x2048xbf16> to vector<1024x128xbf16>
      %min3A_148 = arith.minimumf %min3A_146, %slice3A_147 : vector<1024x128xbf16>
      %slice3A_149 = vector.extract_strided_slice %select_n3A_131 {offsets = [0, 1152], sizes = [1024, 128], strides = [1, 1]} : vector<1024x2048xbf16> to vector<1024x128xbf16>
      %min3A_150 = arith.minimumf %min3A_148, %slice3A_149 : vector<1024x128xbf16>
      %slice3A_151 = vector.extract_strided_slice %select_n3A_131 {offsets = [0, 1280], sizes = [1024, 128], strides = [1, 1]} : vector<1024x2048xbf16> to vector<1024x128xbf16>
      %min3A_152 = arith.minimumf %min3A_150, %slice3A_151 : vector<1024x128xbf16>
      %slice3A_153 = vector.extract_strided_slice %select_n3A_131 {offsets = [0, 1408], sizes = [1024, 128], strides = [1, 1]} : vector<1024x2048xbf16> to vector<1024x128xbf16>
      %min3A_154 = arith.minimumf %min3A_152, %slice3A_153 : vector<1024x128xbf16>
      %slice3A_155 = vector.extract_strided_slice %select_n3A_131 {offsets = [0, 1536], sizes = [1024, 128], strides = [1, 1]} : vector<1024x2048xbf16> to vector<1024x128xbf16>
      %min3A_156 = arith.minimumf %min3A_154, %slice3A_155 : vector<1024x128xbf16>
      %slice3A_157 = vector.extract_strided_slice %select_n3A_131 {offsets = [0, 1664], sizes = [1024, 128], strides = [1, 1]} : vector<1024x2048xbf16> to vector<1024x128xbf16>
      %min3A_158 = arith.minimumf %min3A_156, %slice3A_157 : vector<1024x128xbf16>
      %slice3A_159 = vector.extract_strided_slice %select_n3A_131 {offsets = [0, 1792], sizes = [1024, 128], strides = [1, 1]} : vector<1024x2048xbf16> to vector<1024x128xbf16>
      %min3A_160 = arith.minimumf %min3A_158, %slice3A_159 : vector<1024x128xbf16>
      %slice3A_161 = vector.extract_strided_slice %select_n3A_131 {offsets = [0, 1920], sizes = [1024, 128], strides = [1, 1]} : vector<1024x2048xbf16> to vector<1024x128xbf16>
      %min3A_162 = arith.minimumf %min3A_160, %slice3A_161 : vector<1024x128xbf16>
      %min3A_163 = arith.minimumf %min3A_118, %min3A_162 : vector<1024x128xbf16>
      %slice3A_164 = vector.extract_strided_slice %convert_element_type3A_28 {offsets = [6144, 0], sizes = [2048, 128], strides = [1, 1]} : vector<14336x128xbf16> to vector<2048x128xbf16>
      %dot_general3A_165 = arith.constant dense<0.000000e+00> : vector<1024x2048xf32>
      %dot_general3A_166 = tpu.matmul %get3A_3, %slice3A_164, %dot_general3A_165 {dimension_numbers = #tpu.dot_dimension_numbers<[1], [1], [0], [0], [0, 0, 1, 0], [], []>, transpose_lhs_hint = false} : vector<1024x128xbf16>, vector<2048x128xbf16>, vector<1024x2048xf32> -> vector<1024x2048xf32>
      %convert_element_type3A_167 = arith.truncf %dot_general3A_166 : vector<1024x2048xf32> to vector<1024x2048xbf16>
      %slice3A_168 = vector.extract_strided_slice %convert_element_type3A_32 {offsets = [0, 6144], sizes = [1, 2048], strides = [1, 1]} : vector<1x14336xbf16> to vector<1x2048xbf16>
      %add3A_169 = vector.broadcast %slice3A_168 : vector<1x2048xbf16> to vector<1024x2048xbf16>
      %add3A_170 = arith.addf %convert_element_type3A_167, %add3A_169 : vector<1024x2048xbf16>
      %slice3A_171 = vector.extract_strided_slice %lt3A_11 {offsets = [0, 6144], sizes = [1, 2048], strides = [1, 1]} : vector<1x14336xi1> to vector<1x2048xi1>
      %jit3A_172 = arith.constant 3.004060e+38 : bf16
      %broadcast_in_dim3A_173 = vector.shape_cast %slice3A_171 : vector<1x2048xi1> to vector<1x2048xi1>
      %broadcast_in_dim3A_174 = vector.broadcast %broadcast_in_dim3A_173 : vector<1x2048xi1> to vector<1024x2048xi1>
      %broadcast_in_dim3A_175 = vector.broadcast %jit3A_172 : bf16 to vector<1024x2048xbf16>
      %select_n3A_176 = arith.select %broadcast_in_dim3A_174, %add3A_170, %broadcast_in_dim3A_175 : vector<1024x2048xi1>, vector<1024x2048xbf16>
      %slice3A_177 = vector.extract_strided_slice %select_n3A_176 {offsets = [0, 0], sizes = [1024, 128], strides = [1, 1]} : vector<1024x2048xbf16> to vector<1024x128xbf16>
      %slice3A_178 = vector.extract_strided_slice %select_n3A_176 {offsets = [0, 128], sizes = [1024, 128], strides = [1, 1]} : vector<1024x2048xbf16> to vector<1024x128xbf16>
      %min3A_179 = arith.minimumf %slice3A_177, %slice3A_178 : vector<1024x128xbf16>
      %slice3A_180 = vector.extract_strided_slice %select_n3A_176 {offsets = [0, 256], sizes = [1024, 128], strides = [1, 1]} : vector<1024x2048xbf16> to vector<1024x128xbf16>
      %min3A_181 = arith.minimumf %min3A_179, %slice3A_180 : vector<1024x128xbf16>
      %slice3A_182 = vector.extract_strided_slice %select_n3A_176 {offsets = [0, 384], sizes = [1024, 128], strides = [1, 1]} : vector<1024x2048xbf16> to vector<1024x128xbf16>
      %min3A_183 = arith.minimumf %min3A_181, %slice3A_182 : vector<1024x128xbf16>
      %slice3A_184 = vector.extract_strided_slice %select_n3A_176 {offsets = [0, 512], sizes = [1024, 128], strides = [1, 1]} : vector<1024x2048xbf16> to vector<1024x128xbf16>
      %min3A_185 = arith.minimumf %min3A_183, %slice3A_184 : vector<1024x128xbf16>
      %slice3A_186 = vector.extract_strided_slice %select_n3A_176 {offsets = [0, 640], sizes = [1024, 128], strides = [1, 1]} : vector<1024x2048xbf16> to vector<1024x128xbf16>
      %min3A_187 = arith.minimumf %min3A_185, %slice3A_186 : vector<1024x128xbf16>
      %slice3A_188 = vector.extract_strided_slice %select_n3A_176 {offsets = [0, 768], sizes = [1024, 128], strides = [1, 1]} : vector<1024x2048xbf16> to vector<1024x128xbf16>
      %min3A_189 = arith.minimumf %min3A_187, %slice3A_188 : vector<1024x128xbf16>
      %slice3A_190 = vector.extract_strided_slice %select_n3A_176 {offsets = [0, 896], sizes = [1024, 128], strides = [1, 1]} : vector<1024x2048xbf16> to vector<1024x128xbf16>
      %min3A_191 = arith.minimumf %min3A_189, %slice3A_190 : vector<1024x128xbf16>
      %slice3A_192 = vector.extract_strided_slice %select_n3A_176 {offsets = [0, 1024], sizes = [1024, 128], strides = [1, 1]} : vector<1024x2048xbf16> to vector<1024x128xbf16>
      %min3A_193 = arith.minimumf %min3A_191, %slice3A_192 : vector<1024x128xbf16>
      %slice3A_194 = vector.extract_strided_slice %select_n3A_176 {offsets = [0, 1152], sizes = [1024, 128], strides = [1, 1]} : vector<1024x2048xbf16> to vector<1024x128xbf16>
      %min3A_195 = arith.minimumf %min3A_193, %slice3A_194 : vector<1024x128xbf16>
      %slice3A_196 = vector.extract_strided_slice %select_n3A_176 {offsets = [0, 1280], sizes = [1024, 128], strides = [1, 1]} : vector<1024x2048xbf16> to vector<1024x128xbf16>
      %min3A_197 = arith.minimumf %min3A_195, %slice3A_196 : vector<1024x128xbf16>
      %slice3A_198 = vector.extract_strided_slice %select_n3A_176 {offsets = [0, 1408], sizes = [1024, 128], strides = [1, 1]} : vector<1024x2048xbf16> to vector<1024x128xbf16>
      %min3A_199 = arith.minimumf %min3A_197, %slice3A_198 : vector<1024x128xbf16>
      %slice3A_200 = vector.extract_strided_slice %select_n3A_176 {offsets = [0, 1536], sizes = [1024, 128], strides = [1, 1]} : vector<1024x2048xbf16> to vector<1024x128xbf16>
      %min3A_201 = arith.minimumf %min3A_199, %slice3A_200 : vector<1024x128xbf16>
      %slice3A_202 = vector.extract_strided_slice %select_n3A_176 {offsets = [0, 1664], sizes = [1024, 128], strides = [1, 1]} : vector<1024x2048xbf16> to vector<1024x128xbf16>
      %min3A_203 = arith.minimumf %min3A_201, %slice3A_202 : vector<1024x128xbf16>
      %slice3A_204 = vector.extract_strided_slice %select_n3A_176 {offsets = [0, 1792], sizes = [1024, 128], strides = [1, 1]} : vector<1024x2048xbf16> to vector<1024x128xbf16>
      %min3A_205 = arith.minimumf %min3A_203, %slice3A_204 : vector<1024x128xbf16>
      %slice3A_206 = vector.extract_strided_slice %select_n3A_176 {offsets = [0, 1920], sizes = [1024, 128], strides = [1, 1]} : vector<1024x2048xbf16> to vector<1024x128xbf16>
      %min3A_207 = arith.minimumf %min3A_205, %slice3A_206 : vector<1024x128xbf16>
      %min3A_208 = arith.minimumf %min3A_163, %min3A_207 : vector<1024x128xbf16>
      %slice3A_209 = vector.extract_strided_slice %convert_element_type3A_28 {offsets = [8192, 0], sizes = [2048, 128], strides = [1, 1]} : vector<14336x128xbf16> to vector<2048x128xbf16>
      %dot_general3A_210 = arith.constant dense<0.000000e+00> : vector<1024x2048xf32>
      %dot_general3A_211 = tpu.matmul %get3A_3, %slice3A_209, %dot_general3A_210 {dimension_numbers = #tpu.dot_dimension_numbers<[1], [1], [0], [0], [0, 0, 1, 0], [], []>, transpose_lhs_hint = false} : vector<1024x128xbf16>, vector<2048x128xbf16>, vector<1024x2048xf32> -> vector<1024x2048xf32>
      %convert_element_type3A_212 = arith.truncf %dot_general3A_211 : vector<1024x2048xf32> to vector<1024x2048xbf16>
      %slice3A_213 = vector.extract_strided_slice %convert_element_type3A_32 {offsets = [0, 8192], sizes = [1, 2048], strides = [1, 1]} : vector<1x14336xbf16> to vector<1x2048xbf16>
      %add3A_214 = vector.broadcast %slice3A_213 : vector<1x2048xbf16> to vector<1024x2048xbf16>
      %add3A_215 = arith.addf %convert_element_type3A_212, %add3A_214 : vector<1024x2048xbf16>
      %slice3A_216 = vector.extract_strided_slice %lt3A_11 {offsets = [0, 8192], sizes = [1, 2048], strides = [1, 1]} : vector<1x14336xi1> to vector<1x2048xi1>
      %jit3A_217 = arith.constant 3.004060e+38 : bf16
      %broadcast_in_dim3A_218 = vector.shape_cast %slice3A_216 : vector<1x2048xi1> to vector<1x2048xi1>
      %broadcast_in_dim3A_219 = vector.broadcast %broadcast_in_dim3A_218 : vector<1x2048xi1> to vector<1024x2048xi1>
      %broadcast_in_dim3A_220 = vector.broadcast %jit3A_217 : bf16 to vector<1024x2048xbf16>
      %select_n3A_221 = arith.select %broadcast_in_dim3A_219, %add3A_215, %broadcast_in_dim3A_220 : vector<1024x2048xi1>, vector<1024x2048xbf16>
      %slice3A_222 = vector.extract_strided_slice %select_n3A_221 {offsets = [0, 0], sizes = [1024, 128], strides = [1, 1]} : vector<1024x2048xbf16> to vector<1024x128xbf16>
      %slice3A_223 = vector.extract_strided_slice %select_n3A_221 {offsets = [0, 128], sizes = [1024, 128], strides = [1, 1]} : vector<1024x2048xbf16> to vector<1024x128xbf16>
      %min3A_224 = arith.minimumf %slice3A_222, %slice3A_223 : vector<1024x128xbf16>
      %slice3A_225 = vector.extract_strided_slice %select_n3A_221 {offsets = [0, 256], sizes = [1024, 128], strides = [1, 1]} : vector<1024x2048xbf16> to vector<1024x128xbf16>
      %min3A_226 = arith.minimumf %min3A_224, %slice3A_225 : vector<1024x128xbf16>
      %slice3A_227 = vector.extract_strided_slice %select_n3A_221 {offsets = [0, 384], sizes = [1024, 128], strides = [1, 1]} : vector<1024x2048xbf16> to vector<1024x128xbf16>
      %min3A_228 = arith.minimumf %min3A_226, %slice3A_227 : vector<1024x128xbf16>
      %slice3A_229 = vector.extract_strided_slice %select_n3A_221 {offsets = [0, 512], sizes = [1024, 128], strides = [1, 1]} : vector<1024x2048xbf16> to vector<1024x128xbf16>
      %min3A_230 = arith.minimumf %min3A_228, %slice3A_229 : vector<1024x128xbf16>
      %slice3A_231 = vector.extract_strided_slice %select_n3A_221 {offsets = [0, 640], sizes = [1024, 128], strides = [1, 1]} : vector<1024x2048xbf16> to vector<1024x128xbf16>
      %min3A_232 = arith.minimumf %min3A_230, %slice3A_231 : vector<1024x128xbf16>
      %slice3A_233 = vector.extract_strided_slice %select_n3A_221 {offsets = [0, 768], sizes = [1024, 128], strides = [1, 1]} : vector<1024x2048xbf16> to vector<1024x128xbf16>
      %min3A_234 = arith.minimumf %min3A_232, %slice3A_233 : vector<1024x128xbf16>
      %slice3A_235 = vector.extract_strided_slice %select_n3A_221 {offsets = [0, 896], sizes = [1024, 128], strides = [1, 1]} : vector<1024x2048xbf16> to vector<1024x128xbf16>
      %min3A_236 = arith.minimumf %min3A_234, %slice3A_235 : vector<1024x128xbf16>
      %slice3A_237 = vector.extract_strided_slice %select_n3A_221 {offsets = [0, 1024], sizes = [1024, 128], strides = [1, 1]} : vector<1024x2048xbf16> to vector<1024x128xbf16>
      %min3A_238 = arith.minimumf %min3A_236, %slice3A_237 : vector<1024x128xbf16>
      %slice3A_239 = vector.extract_strided_slice %select_n3A_221 {offsets = [0, 1152], sizes = [1024, 128], strides = [1, 1]} : vector<1024x2048xbf16> to vector<1024x128xbf16>
      %min3A_240 = arith.minimumf %min3A_238, %slice3A_239 : vector<1024x128xbf16>
      %slice3A_241 = vector.extract_strided_slice %select_n3A_221 {offsets = [0, 1280], sizes = [1024, 128], strides = [1, 1]} : vector<1024x2048xbf16> to vector<1024x128xbf16>
      %min3A_242 = arith.minimumf %min3A_240, %slice3A_241 : vector<1024x128xbf16>
      %slice3A_243 = vector.extract_strided_slice %select_n3A_221 {offsets = [0, 1408], sizes = [1024, 128], strides = [1, 1]} : vector<1024x2048xbf16> to vector<1024x128xbf16>
      %min3A_244 = arith.minimumf %min3A_242, %slice3A_243 : vector<1024x128xbf16>
      %slice3A_245 = vector.extract_strided_slice %select_n3A_221 {offsets = [0, 1536], sizes = [1024, 128], strides = [1, 1]} : vector<1024x2048xbf16> to vector<1024x128xbf16>
      %min3A_246 = arith.minimumf %min3A_244, %slice3A_245 : vector<1024x128xbf16>
      %slice3A_247 = vector.extract_strided_slice %select_n3A_221 {offsets = [0, 1664], sizes = [1024, 128], strides = [1, 1]} : vector<1024x2048xbf16> to vector<1024x128xbf16>
      %min3A_248 = arith.minimumf %min3A_246, %slice3A_247 : vector<1024x128xbf16>
      %slice3A_249 = vector.extract_strided_slice %select_n3A_221 {offsets = [0, 1792], sizes = [1024, 128], strides = [1, 1]} : vector<1024x2048xbf16> to vector<1024x128xbf16>
      %min3A_250 = arith.minimumf %min3A_248, %slice3A_249 : vector<1024x128xbf16>
      %slice3A_251 = vector.extract_strided_slice %select_n3A_221 {offsets = [0, 1920], sizes = [1024, 128], strides = [1, 1]} : vector<1024x2048xbf16> to vector<1024x128xbf16>
      %min3A_252 = arith.minimumf %min3A_250, %slice3A_251 : vector<1024x128xbf16>
      %min3A_253 = arith.minimumf %min3A_208, %min3A_252 : vector<1024x128xbf16>
      %slice3A_254 = vector.extract_strided_slice %convert_element_type3A_28 {offsets = [10240, 0], sizes = [2048, 128], strides = [1, 1]} : vector<14336x128xbf16> to vector<2048x128xbf16>
      %dot_general3A_255 = arith.constant dense<0.000000e+00> : vector<1024x2048xf32>
      %dot_general3A_256 = tpu.matmul %get3A_3, %slice3A_254, %dot_general3A_255 {dimension_numbers = #tpu.dot_dimension_numbers<[1], [1], [0], [0], [0, 0, 1, 0], [], []>, transpose_lhs_hint = false} : vector<1024x128xbf16>, vector<2048x128xbf16>, vector<1024x2048xf32> -> vector<1024x2048xf32>
      %convert_element_type3A_257 = arith.truncf %dot_general3A_256 : vector<1024x2048xf32> to vector<1024x2048xbf16>
      %slice3A_258 = vector.extract_strided_slice %convert_element_type3A_32 {offsets = [0, 10240], sizes = [1, 2048], strides = [1, 1]} : vector<1x14336xbf16> to vector<1x2048xbf16>
      %add3A_259 = vector.broadcast %slice3A_258 : vector<1x2048xbf16> to vector<1024x2048xbf16>
      %add3A_260 = arith.addf %convert_element_type3A_257, %add3A_259 : vector<1024x2048xbf16>
      %slice3A_261 = vector.extract_strided_slice %lt3A_11 {offsets = [0, 10240], sizes = [1, 2048], strides = [1, 1]} : vector<1x14336xi1> to vector<1x2048xi1>
      %jit3A_262 = arith.constant 3.004060e+38 : bf16
      %broadcast_in_dim3A_263 = vector.shape_cast %slice3A_261 : vector<1x2048xi1> to vector<1x2048xi1>
      %broadcast_in_dim3A_264 = vector.broadcast %broadcast_in_dim3A_263 : vector<1x2048xi1> to vector<1024x2048xi1>
      %broadcast_in_dim3A_265 = vector.broadcast %jit3A_262 : bf16 to vector<1024x2048xbf16>
      %select_n3A_266 = arith.select %broadcast_in_dim3A_264, %add3A_260, %broadcast_in_dim3A_265 : vector<1024x2048xi1>, vector<1024x2048xbf16>
      %slice3A_267 = vector.extract_strided_slice %select_n3A_266 {offsets = [0, 0], sizes = [1024, 128], strides = [1, 1]} : vector<1024x2048xbf16> to vector<1024x128xbf16>
      %slice3A_268 = vector.extract_strided_slice %select_n3A_266 {offsets = [0, 128], sizes = [1024, 128], strides = [1, 1]} : vector<1024x2048xbf16> to vector<1024x128xbf16>
      %min3A_269 = arith.minimumf %slice3A_267, %slice3A_268 : vector<1024x128xbf16>
      %slice3A_270 = vector.extract_strided_slice %select_n3A_266 {offsets = [0, 256], sizes = [1024, 128], strides = [1, 1]} : vector<1024x2048xbf16> to vector<1024x128xbf16>
      %min3A_271 = arith.minimumf %min3A_269, %slice3A_270 : vector<1024x128xbf16>
      %slice3A_272 = vector.extract_strided_slice %select_n3A_266 {offsets = [0, 384], sizes = [1024, 128], strides = [1, 1]} : vector<1024x2048xbf16> to vector<1024x128xbf16>
      %min3A_273 = arith.minimumf %min3A_271, %slice3A_272 : vector<1024x128xbf16>
      %slice3A_274 = vector.extract_strided_slice %select_n3A_266 {offsets = [0, 512], sizes = [1024, 128], strides = [1, 1]} : vector<1024x2048xbf16> to vector<1024x128xbf16>
      %min3A_275 = arith.minimumf %min3A_273, %slice3A_274 : vector<1024x128xbf16>
      %slice3A_276 = vector.extract_strided_slice %select_n3A_266 {offsets = [0, 640], sizes = [1024, 128], strides = [1, 1]} : vector<1024x2048xbf16> to vector<1024x128xbf16>
      %min3A_277 = arith.minimumf %min3A_275, %slice3A_276 : vector<1024x128xbf16>
      %slice3A_278 = vector.extract_strided_slice %select_n3A_266 {offsets = [0, 768], sizes = [1024, 128], strides = [1, 1]} : vector<1024x2048xbf16> to vector<1024x128xbf16>
      %min3A_279 = arith.minimumf %min3A_277, %slice3A_278 : vector<1024x128xbf16>
      %slice3A_280 = vector.extract_strided_slice %select_n3A_266 {offsets = [0, 896], sizes = [1024, 128], strides = [1, 1]} : vector<1024x2048xbf16> to vector<1024x128xbf16>
      %min3A_281 = arith.minimumf %min3A_279, %slice3A_280 : vector<1024x128xbf16>
      %slice3A_282 = vector.extract_strided_slice %select_n3A_266 {offsets = [0, 1024], sizes = [1024, 128], strides = [1, 1]} : vector<1024x2048xbf16> to vector<1024x128xbf16>
      %min3A_283 = arith.minimumf %min3A_281, %slice3A_282 : vector<1024x128xbf16>
      %slice3A_284 = vector.extract_strided_slice %select_n3A_266 {offsets = [0, 1152], sizes = [1024, 128], strides = [1, 1]} : vector<1024x2048xbf16> to vector<1024x128xbf16>
      %min3A_285 = arith.minimumf %min3A_283, %slice3A_284 : vector<1024x128xbf16>
      %slice3A_286 = vector.extract_strided_slice %select_n3A_266 {offsets = [0, 1280], sizes = [1024, 128], strides = [1, 1]} : vector<1024x2048xbf16> to vector<1024x128xbf16>
      %min3A_287 = arith.minimumf %min3A_285, %slice3A_286 : vector<1024x128xbf16>
      %slice3A_288 = vector.extract_strided_slice %select_n3A_266 {offsets = [0, 1408], sizes = [1024, 128], strides = [1, 1]} : vector<1024x2048xbf16> to vector<1024x128xbf16>
      %min3A_289 = arith.minimumf %min3A_287, %slice3A_288 : vector<1024x128xbf16>
      %slice3A_290 = vector.extract_strided_slice %select_n3A_266 {offsets = [0, 1536], sizes = [1024, 128], strides = [1, 1]} : vector<1024x2048xbf16> to vector<1024x128xbf16>
      %min3A_291 = arith.minimumf %min3A_289, %slice3A_290 : vector<1024x128xbf16>
      %slice3A_292 = vector.extract_strided_slice %select_n3A_266 {offsets = [0, 1664], sizes = [1024, 128], strides = [1, 1]} : vector<1024x2048xbf16> to vector<1024x128xbf16>
      %min3A_293 = arith.minimumf %min3A_291, %slice3A_292 : vector<1024x128xbf16>
      %slice3A_294 = vector.extract_strided_slice %select_n3A_266 {offsets = [0, 1792], sizes = [1024, 128], strides = [1, 1]} : vector<1024x2048xbf16> to vector<1024x128xbf16>
      %min3A_295 = arith.minimumf %min3A_293, %slice3A_294 : vector<1024x128xbf16>
      %slice3A_296 = vector.extract_strided_slice %select_n3A_266 {offsets = [0, 1920], sizes = [1024, 128], strides = [1, 1]} : vector<1024x2048xbf16> to vector<1024x128xbf16>
      %min3A_297 = arith.minimumf %min3A_295, %slice3A_296 : vector<1024x128xbf16>
      %min3A_298 = arith.minimumf %min3A_253, %min3A_297 : vector<1024x128xbf16>
      %slice3A_299 = vector.extract_strided_slice %convert_element_type3A_28 {offsets = [12288, 0], sizes = [2048, 128], strides = [1, 1]} : vector<14336x128xbf16> to vector<2048x128xbf16>
      %dot_general3A_300 = arith.constant dense<0.000000e+00> : vector<1024x2048xf32>
      %dot_general3A_301 = tpu.matmul %get3A_3, %slice3A_299, %dot_general3A_300 {dimension_numbers = #tpu.dot_dimension_numbers<[1], [1], [0], [0], [0, 0, 1, 0], [], []>, transpose_lhs_hint = false} : vector<1024x128xbf16>, vector<2048x128xbf16>, vector<1024x2048xf32> -> vector<1024x2048xf32>
      %convert_element_type3A_302 = arith.truncf %dot_general3A_301 : vector<1024x2048xf32> to vector<1024x2048xbf16>
      %slice3A_303 = vector.extract_strided_slice %convert_element_type3A_32 {offsets = [0, 12288], sizes = [1, 2048], strides = [1, 1]} : vector<1x14336xbf16> to vector<1x2048xbf16>
      %add3A_304 = vector.broadcast %slice3A_303 : vector<1x2048xbf16> to vector<1024x2048xbf16>
      %add3A_305 = arith.addf %convert_element_type3A_302, %add3A_304 : vector<1024x2048xbf16>
      %slice3A_306 = vector.extract_strided_slice %lt3A_11 {offsets = [0, 12288], sizes = [1, 2048], strides = [1, 1]} : vector<1x14336xi1> to vector<1x2048xi1>
      %jit3A_307 = arith.constant 3.004060e+38 : bf16
      %broadcast_in_dim3A_308 = vector.shape_cast %slice3A_306 : vector<1x2048xi1> to vector<1x2048xi1>
      %broadcast_in_dim3A_309 = vector.broadcast %broadcast_in_dim3A_308 : vector<1x2048xi1> to vector<1024x2048xi1>
      %broadcast_in_dim3A_310 = vector.broadcast %jit3A_307 : bf16 to vector<1024x2048xbf16>
      %select_n3A_311 = arith.select %broadcast_in_dim3A_309, %add3A_305, %broadcast_in_dim3A_310 : vector<1024x2048xi1>, vector<1024x2048xbf16>
      %slice3A_312 = vector.extract_strided_slice %select_n3A_311 {offsets = [0, 0], sizes = [1024, 128], strides = [1, 1]} : vector<1024x2048xbf16> to vector<1024x128xbf16>
      %slice3A_313 = vector.extract_strided_slice %select_n3A_311 {offsets = [0, 128], sizes = [1024, 128], strides = [1, 1]} : vector<1024x2048xbf16> to vector<1024x128xbf16>
      %min3A_314 = arith.minimumf %slice3A_312, %slice3A_313 : vector<1024x128xbf16>
      %slice3A_315 = vector.extract_strided_slice %select_n3A_311 {offsets = [0, 256], sizes = [1024, 128], strides = [1, 1]} : vector<1024x2048xbf16> to vector<1024x128xbf16>
      %min3A_316 = arith.minimumf %min3A_314, %slice3A_315 : vector<1024x128xbf16>
      %slice3A_317 = vector.extract_strided_slice %select_n3A_311 {offsets = [0, 384], sizes = [1024, 128], strides = [1, 1]} : vector<1024x2048xbf16> to vector<1024x128xbf16>
      %min3A_318 = arith.minimumf %min3A_316, %slice3A_317 : vector<1024x128xbf16>
      %slice3A_319 = vector.extract_strided_slice %select_n3A_311 {offsets = [0, 512], sizes = [1024, 128], strides = [1, 1]} : vector<1024x2048xbf16> to vector<1024x128xbf16>
      %min3A_320 = arith.minimumf %min3A_318, %slice3A_319 : vector<1024x128xbf16>
      %slice3A_321 = vector.extract_strided_slice %select_n3A_311 {offsets = [0, 640], sizes = [1024, 128], strides = [1, 1]} : vector<1024x2048xbf16> to vector<1024x128xbf16>
      %min3A_322 = arith.minimumf %min3A_320, %slice3A_321 : vector<1024x128xbf16>
      %slice3A_323 = vector.extract_strided_slice %select_n3A_311 {offsets = [0, 768], sizes = [1024, 128], strides = [1, 1]} : vector<1024x2048xbf16> to vector<1024x128xbf16>
      %min3A_324 = arith.minimumf %min3A_322, %slice3A_323 : vector<1024x128xbf16>
      %slice3A_325 = vector.extract_strided_slice %select_n3A_311 {offsets = [0, 896], sizes = [1024, 128], strides = [1, 1]} : vector<1024x2048xbf16> to vector<1024x128xbf16>
      %min3A_326 = arith.minimumf %min3A_324, %slice3A_325 : vector<1024x128xbf16>
      %slice3A_327 = vector.extract_strided_slice %select_n3A_311 {offsets = [0, 1024], sizes = [1024, 128], strides = [1, 1]} : vector<1024x2048xbf16> to vector<1024x128xbf16>
      %min3A_328 = arith.minimumf %min3A_326, %slice3A_327 : vector<1024x128xbf16>
      %slice3A_329 = vector.extract_strided_slice %select_n3A_311 {offsets = [0, 1152], sizes = [1024, 128], strides = [1, 1]} : vector<1024x2048xbf16> to vector<1024x128xbf16>
      %min3A_330 = arith.minimumf %min3A_328, %slice3A_329 : vector<1024x128xbf16>
      %slice3A_331 = vector.extract_strided_slice %select_n3A_311 {offsets = [0, 1280], sizes = [1024, 128], strides = [1, 1]} : vector<1024x2048xbf16> to vector<1024x128xbf16>
      %min3A_332 = arith.minimumf %min3A_330, %slice3A_331 : vector<1024x128xbf16>
      %slice3A_333 = vector.extract_strided_slice %select_n3A_311 {offsets = [0, 1408], sizes = [1024, 128], strides = [1, 1]} : vector<1024x2048xbf16> to vector<1024x128xbf16>
      %min3A_334 = arith.minimumf %min3A_332, %slice3A_333 : vector<1024x128xbf16>
      %slice3A_335 = vector.extract_strided_slice %select_n3A_311 {offsets = [0, 1536], sizes = [1024, 128], strides = [1, 1]} : vector<1024x2048xbf16> to vector<1024x128xbf16>
      %min3A_336 = arith.minimumf %min3A_334, %slice3A_335 : vector<1024x128xbf16>
      %slice3A_337 = vector.extract_strided_slice %select_n3A_311 {offsets = [0, 1664], sizes = [1024, 128], strides = [1, 1]} : vector<1024x2048xbf16> to vector<1024x128xbf16>
      %min3A_338 = arith.minimumf %min3A_336, %slice3A_337 : vector<1024x128xbf16>
      %slice3A_339 = vector.extract_strided_slice %select_n3A_311 {offsets = [0, 1792], sizes = [1024, 128], strides = [1, 1]} : vector<1024x2048xbf16> to vector<1024x128xbf16>
      %min3A_340 = arith.minimumf %min3A_338, %slice3A_339 : vector<1024x128xbf16>
      %slice3A_341 = vector.extract_strided_slice %select_n3A_311 {offsets = [0, 1920], sizes = [1024, 128], strides = [1, 1]} : vector<1024x2048xbf16> to vector<1024x128xbf16>
      %min3A_342 = arith.minimumf %min3A_340, %slice3A_341 : vector<1024x128xbf16>
      %min3A_343 = arith.minimumf %min3A_298, %min3A_342 : vector<1024x128xbf16>
      %convert_element_type3A_344 = arith.extf %min3A_343 : vector<1024x128xbf16> to vector<1024x128xf32>
      %min3A_345 = arith.minimumf %get3A_24, %convert_element_type3A_344 : vector<1024x128xf32>
      %reduce_min3A = arith.constant dense<0x7F800000> : vector<1024xf32>
      %reduce_min3A_346 = vector.multi_reduction <minimumf>, %min3A_345, %reduce_min3A [1] : vector<1024x128xf32> to vector<1024xf32>
      %broadcast_in_dim3A_347 = vector.shape_cast %reduce_min3A_346 : vector<1024xf32> to vector<1024x1xf32>
      %get3A_348 = arith.constant 0 : index
      %get3A_349 = arith.constant 0 : index
      %get3A_350 = vector.load %arg1[%get3A_348, %get3A_349] : memref<1024x128xf32, #tpu.memory_space<vmem>>, vector<1024x128xf32>
      %mul3A_351 = arith.mulf %get3A_350, %get3A_350 : vector<1024x128xf32>
      %reduce_sum3A = arith.constant dense<0.000000e+00> : vector<1024xf32>
      %reduce_sum3A_352 = vector.multi_reduction <add>, %mul3A_351, %reduce_sum3A [1] : vector<1024x128xf32> to vector<1024xf32>
      %broadcast_in_dim3A_353 = vector.shape_cast %reduce_sum3A_352 : vector<1024xf32> to vector<1024x1xf32>
      %add3A_354 = arith.addf %broadcast_in_dim3A_347, %broadcast_in_dim3A_353 : vector<1024x1xf32>
      %reduce_sum3A_355 = vector.shape_cast %add3A_354 : vector<1024x1xf32> to vector<1x1024x1xf32>
      %reduce_sum3A_356 = arith.constant dense<0.000000e+00> : vector<1xf32>
      %reduce_sum3A_357 = vector.multi_reduction <add>, %reduce_sum3A_355, %reduce_sum3A_356 [1, 2] : vector<1x1024x1xf32> to vector<1xf32>
      %reduce_sum3A_358 = vector.shape_cast %reduce_sum3A_357 : vector<1xf32> to vector<1x1x1xf32>
      %reduce_sum3A_359 = vector.extract %reduce_sum3A_358[0, 0, 0] : f32 from vector<1x1x1xf32>
      %div3A = arith.constant 1.024000e+03 : f32
      %div3A_360 = arith.divf %reduce_sum3A_359, %div3A : f32
      %reshape3A = vector.broadcast %div3A_360 : f32 to vector<1x1xf32>
      %swap3A = arith.constant 0 : index
      %swap3A_361 = arith.constant 0 : index
      %swap3A_362 = vector.load %arg4[%swap3A, %swap3A_361] : memref<1x1xf32, #tpu.memory_space<vmem>>, vector<1x1xf32>
      tpu.vector_store %arg4[%swap3A, %swap3A_361], %reshape3A {strides = array<i32>} : memref<1x1xf32, #tpu.memory_space<vmem>>, vector<1x1xf32>,
    } else {
    }
    return
  }
  func.func @transform_0(%arg0: i32) -> (i32, i32) {
    %c0_i32 = arith.constant 0 : i32
    %c0_i32_0 = arith.constant 0 : i32
    %c0_i32_1 = arith.constant 0 : i32
    return %c0_i32, %c0_i32_0 : i32, i32
  }
  func.func @transform_1(%arg0: i32) -> (i32, i32) {
    %c0_i32 = arith.constant 0 : i32
    %c0_i32_0 = arith.constant 0 : i32
    return %arg0, %c0_i32 : i32, i32
  }
  func.func @transform_2(%arg0: i32) -> (i32, i32) {
    %c0_i32 = arith.constant 0 : i32
    %c0_i32_0 = arith.constant 0 : i32
    return %c0_i32, %arg0 : i32, i32
  }
  func.func @transform_3(%arg0: i32) -> (i32, i32) {
    %c0_i32 = arith.constant 0 : i32
    %c0_i32_0 = arith.constant 0 : i32
    %c0_i32_1 = arith.constant 0 : i32
    return %c0_i32, %c0_i32_0 : i32, i32
  }
}

</mosaic_0001>

<sc_bundles>
// kernel: kernel.4.cloned.1.call-start
scs
__scs_entry_jumppad:
0x0: {  	(pc) =	sbr.rel $0x88, $3  }
0x1: {  	(tag) =	ssettag $0x0;
	lr =	simm.s32 $0x1  }
0x2: {  	[smem:$0x3F9D] =	sst lr;
	_ =	strace $0xD0000000  }
0x3: {  	_ = 	snop  }
0x4: {  	_ = 	snop  }
0x5: {  	_ = 	snop  }
0x6: {  	_ = 	snop  }
0x7: {  	_ = 	snop  }
__scs_overlays_trampoline_lowered:
0x8: {  	[smem:$0x3FAC] =	sst s0  }
0x9: {  	[smem:$0x3FAD] =	sst s1  }
0xa: {  	[smem:$0x3FAE] =	sst s2  }
0xb: {  	[smem:$0x3FAF] =	sst s3  }
0xc: {  	[smem:$0x3FB0] =	sst s4  }
0xd: {  	[smem:$0x3FB1] =	sst s5  }
0xe: {  	[smem:$0x3FB2] =	sst s6  }
0xf: {  	[smem:$0x3FB3] =	sst s7  }
0x10: {  	[smem:$0x3FB4] =	sst s8  }
0x11: {  	[smem:$0x3FB5] =	sst s9;
	s0 =	simm.s32 @!p0 $0x0  }
0x12: {  	s1 =	sld [smem:$0x3F9B];
	s0 =	simm.s32 @p0 $0x1  }
0x13: {  	[smem:$0x3FB6] =	sst s0;
	s0 =	simm.s32 @!p1 $0x0  }
0x14: {  	s2 =	sld [smem:$0x3F9A];
	s0 =	simm.s32 @p1 $0x1  }
0x15: {  	[smem:$0x3FB7] =	sst s0;
	s0 =	simm.s32 @!p2 $0x0  }
0x16: {  	s3 =	sld [smem:$0x3FDB];
	s0 =	simm.s32 @p2 $0x1  }
0x17: {  	s4 =	simm.s32 $0x1BF5;
	[smem:$0x3FB9] =	sst s0  }
0x18: {  	s0 =	sld [smem:$0x3F9C];
	_ =	swait.ge [sflag:s4], $0x0  }
0x19: {  	s7 =	sld [smem:$0x3F9D]  }
0x1a: {  	s8 =	sadd.s32 $0xFFFFE003, lr  }
0x1b: {  	s9 =	sadd.s32 $0xFFFFFEF7, lr;
	s5 =	simm.s32 $0xFFFFFFFF;
	p2 =	slt.u32 s8, $0xFFFFF086  }
0x1c: {  	p1 =	slt.u32 s9, $0xF7A;
	s5 =	simm.s32 @!p2 $0x0  }
0x1d: {  	s5 =	simm.s32 @p1 $0x1;
	p0 =	seq.s32 s7, s2  }
0x1e: {  	s7 =	smul.u32 @!p0 $0xF7A, s2;
	p2 =	seq.s32 @!p0 s5, $0x0  }
0x1f: {  	s9 =	smul.u32 $0xF7A, s1;
	s8 =	simm.s32 @!p0 $0x1BF5;
	p2 =	por !p2, p0  }
0x20: {  	[sflag:s8] =	ssyncset.s32 @!p0 $0xFFFFF086;
	s6 =	sadd.s32 @!p0 s3, s7;
	s7 =	simm.s32 @!p0 $0x108  }
0x21: {  	s3 =	sadd.s32 s3, s9;
	s6 =	sadd.s32 @!p0 $0x88, s6;
	s7 =	simm.s32 @p2 $0x1082  }
0x22: {  	[simem:s7], [sflag:s8] =	dma.local @!p0 [hbm:s6], $0xF7A  }
0x23: {  	s9 =	sor.u32 $0xD0000000, s2;
	s6 =	simm.s32 $0x108;
	_ =	swait.ge @!p0 [sflag:s8], $0x0  }
0x24: {  	s3 =	sadd.s32 $0x88, s3;
	s6 =	simm.s32 @!p1 $0x1082;
	[sflag:s4] =	ssyncset.s32 $0xFFFFF086  }
0x25: {  	[simem:s6], [sflag:s4] =	dma.local [hbm:s3], $0xF7A  }
0x26: {  	[smem:$0x3F9D] =	sst s1;
	(tag) =	ssettag s2;
	_ =	strace s9  }
0x27: {  	s1 =	sld [smem:$0x3FAD]  }
0x28: {  	s2 =	sld [smem:$0x3FAE]  }
0x29: {  	s4 =	sld [smem:$0x3FB0]  }
0x2a: {  	p0 =	seq.s32 s5, $0x0;
	s5 =	sld [smem:$0x3FB1]  }
0x2b: {  	s6 =	sld [smem:$0x3FB2]  }
0x2c: {  	s7 =	sld [smem:$0x3FB3]  }
0x2d: {  	s3 =	simm.s32 $0x108;
	s8 =	sld [smem:$0x3FB4]  }
0x2e: {  	s3 =	simm.s32 @!p0 $0x1082;
	s9 =	sld [smem:$0x3FB5]  }
0x2f: {  	lr =	sadd.s32 s0, s3;
	s0 =	sld [smem:$0x3FAC]  }
0x30: {  	s3 =	sld [smem:$0x3FAF]  }
0x31: {  	[smem:$0x3FB8] =	sst s10  }
0x32: {  	s10 =	sld [smem:$0x3FB6];
	_ =	sdelay $0x3  }
0x33: {  	p0 =	seq.s32 s10, $0x1;
	s10 =	sld [smem:$0x3FB8];
	_ =	sdelay $0x3  }
0x34: {  	[smem:$0x3FB8] =	sst s10  }
0x35: {  	s10 =	sld [smem:$0x3FB7];
	_ =	sdelay $0x3  }
0x36: {  	p1 =	seq.s32 s10, $0x1;
	s10 =	sld [smem:$0x3FB8];
	_ =	sdelay $0x3  }
0x37: {  	[smem:$0x3FB8] =	sst s10  }
0x38: {  	s10 =	sld [smem:$0x3FB9]  }
0x39: {  	_ = 	snop;
	(pc) =	sbr.ind lr, $3  }
0x3a: {  	_ = 	snop  }
0x3b: {  	_ = 	snop  }
0x3c: {  	p2 =	seq.s32 s10, $0x1;
	s10 =	sld [smem:$0x3FB8]  }
0x3d: {  	_ =	shalt  }
0x3e: {  	_ =	shalt  }
0x3f: {  	_ =	shalt  }
0x40: {  	_ =	shalt  }
0x41: {  	_ =	shalt  }
0x42: {  	_ =	shalt  }
0x43: {  	_ =	shalt  }
0x44: {  	_ =	shalt  }
0x45: {  	_ =	shalt  }
0x46: {  	_ =	shalt  }
0x47: {  	_ =	shalt  }
0x48: {  	_ =	shalt  }
0x49: {  	_ =	shalt  }
0x4a: {  	_ =	shalt  }
0x4b: {  	_ =	shalt  }
0x4c: {  	_ =	shalt  }
0x4d: {  	_ =	shalt  }
0x4e: {  	_ =	shalt  }
0x4f: {  	_ =	shalt  }
0x50: {  	_ =	shalt  }
0x51: {  	_ =	shalt  }
0x52: {  	_ =	shalt  }
0x53: {  	_ =	shalt  }
0x54: {  	_ =	shalt  }
0x55: {  	_ =	shalt  }
0x56: {  	_ =	shalt  }
0x57: {  	_ =	shalt  }
0x58: {  	_ =	shalt  }
0x59: {  	_ =	shalt  }
0x5a: {  	_ =	shalt  }
0x5b: {  	_ =	shalt  }
0x5c: {  	_ =	shalt  }
0x5d: {  	_ =	shalt  }
0x5e: {  	_ =	shalt  }
0x5f: {  	_ =	shalt  }
0x60: {  	_ =	shalt  }
0x61: {  	_ =	shalt  }
0x62: {  	_ =	shalt  }
0x63: {  	_ =	shalt  }
0x64: {  	_ =	shalt  }
0x65: {  	_ =	shalt  }
0x66: {  	_ =	shalt  }
0x67: {  	_ =	shalt  }
0x68: {  	_ =	shalt  }
0x69: {  	_ =	shalt  }
0x6a: {  	_ =	shalt  }
0x6b: {  	_ =	shalt  }
0x6c: {  	_ =	shalt  }
0x6d: {  	_ =	shalt  }
0x6e: {  	_ =	shalt  }
0x6f: {  	_ =	shalt  }
0x70: {  	_ =	shalt  }
0x71: {  	_ =	shalt  }
0x72: {  	_ =	shalt  }
0x73: {  	_ =	shalt  }
0x74: {  	_ =	shalt  }
0x75: {  	_ =	shalt  }
0x76: {  	_ =	shalt  }
0x77: {  	_ =	shalt  }
0x78: {  	_ =	shalt  }
0x79: {  	_ =	shalt  }
0x7a: {  	_ =	shalt  }
0x7b: {  	_ =	shalt  }
0x7c: {  	_ =	shalt  }
0x7d: {  	_ =	shalt  }
0x7e: {  	_ =	shalt  }
0x7f: {  	_ =	shalt  }
0x80: {  	_ =	shalt  }
0x81: {  	_ =	shalt  }
0x82: {  	_ =	shalt  }
0x83: {  	_ =	shalt  }
0x84: {  	_ =	shalt  }
0x85: {  	_ =	shalt  }
0x86: {  	_ =	shalt  }
0x87: {  	_ =	shalt  }
.Lfunc_end0:
.L_simem_size_0:
called_computation_lowered:
.L_overlay_start_0:
0x88: {  	s2 =	sld [smem:$0x3FD9]  }
0x89: {  	s3 =	sld [smem:$0x3FFE];
	_ =	sdelay $0x1  }
0x8a: {  	s1 =	srdreg.scid  }
0x8b: {  	s0 =	sand.u32 $0x1, s1  }
0x8c: {  	s16 =	sshll.u32 s0, $0xA;
	s2 =	sadd.s32 s3, s2  }
0x8d: {  	s2 =	sadd.s32 s2, s16  }
0x8e: {  	[smem:$0x3FC4] =	sst s2  }
0x8f: {  	_ = 	snop  }
0x90: {  	(tm) =	ssettm $0x1  }
0x91: {  	s17 =	sld [smem:$0x3FFB];
	_ =	sdelay $0x3  }
0x92: {  	_ =	strace s17  }
0x93: {  	s2 =	sld [smem:$0x3FFC];
	_ =	sdelay $0x3  }
0x94: {  	_ =	strace s2  }
0x95: {  	s2 =	sld [smem:$0x3FFD];
	_ =	sdelay $0x3  }
0x96: {  	_ =	strace s2  }
0x97: {  	_ =	strace $0x8FFFFFFF  }
0x98: {  	s18 =	sld [smem:$0x3FDB];
	_ =	sdelay $0x1  }
0x99: {  	s19 =	simm.s32 $_scs_section_size  }
0x9a: {  	s4 =	simm.s32 $_size__tile_overlayer_lowered;
	s5 =	simm.s32 $_tile_overlayer_lowered  }
0x9b: {  	s22 =	simm.s32 $0x1BFF;
	s21 =	sshll.u32 s5, $0x1;
	s2 =	sadd.s32 s19, s18  }
0x9c: {  	s6 =	simm.s32 $0x0;
	s20 =	sshll.u32 s4, $0x1;
	s4 =	sadd.s32 s21, s2  }
0x9d: {  	[timem:s6], [sflag:s22] =	dma.local [hbm:s4], s20  }
0x9e: {  	_ =	swait.ge [sflag:s22], s20  }
0x9f: {  	s3 =	ssub.s32 $0x0, s20;
	[sflag:s22] =	ssyncset.done $0x0  }
0xa0: {  	[sflag:s22] =	ssyncadd.s32 s3;
	_ =	sdelay $0x1  }
0xa1: {  	s23 =	simm.s32 $0x1B8B  }
0xa2: {  	_ =	swait.ge [sflag:s23], $0x1  }
0xa3: {  	[sflag:s23] =	ssyncset.done $0x0  }
0xa4: {  	s25 =	simm.s32 $0x1B8E;
	s24 =	sld [smem:$0x3FFE];
	[sflag:s23] =	ssyncadd.s32 $0xFFFFFFFF  }
0xa5: {  	s26 =	simm.s32 $execute0_lowered;
	[smem:$0x3FD2] =	sst s25  }
0xa6: {  	s4 =	sshll.u32 s26, $0x1;
	_ =	strace $0x80000046;
	[dreg:$0x1] =	wrdreg $0xFFFFFFFF  }
0xa7: {  	s28 =	simm.s32 $_size_execute0_lowered;
	s2 =	sadd.s32 s2, s4;
	[dreg:$0x0] =	wrdreg $0x0  }
0xa8: {  	s4 =	sshll.u32 s28, $0x1;
	[dreg:$0x2] =	wrdreg s2  }
0xa9: {  	[dreg:$0x3] =	wrdreg s4  }
0xaa: {  	[dreg:$0x4] =	wrdreg $0xC0  }
0xab: {  	_ =	task [dreg:s6], $0x5FFFF  }
0xac: {  	[dreg:$0x1] =	wrdreg $0xFFFFFFFF  }
0xad: {  	[dreg:$0x0] =	wrdreg $0x60  }
0xae: {  	[dreg:$0x2] =	wrdreg s24  }
0xaf: {  	[dreg:$0x3] =	wrdreg $0x9  }
0xb0: {  	_ =	task.clear_ibuf [dreg:s6], $0x4FFFF;
	_ =	strace $0x90000046  }
0xb1: {  	s29 =	simm.s32 $0x9;
	_ =	strace $0x80000048  }
0xb2: {  	_ =	swait.ge [sflag:s29], $0x1  }
0xb3: {  	[sflag:s29] =	ssyncadd.s32 $0xFFFFFFFF  }
0xb4: {  	_ =	strace $0x90000048  }
0xb5: {  	_ =	sfence  }
0xb6: {  	s30 =	sld [smem:$0x0];
	_ =	sdelay $0x2  }
0xb7: {  	s31 =	sshll.u32 s1, $0xD;
	s1 =	sshrl.u32 s1, $0x2  }
0xb8: {  	s3 =	sand.u32 $0x4000, s31;
	s1 =	sadd.s32 s1, s30  }
0xb9: {  	s0 =	sor.u32 s3, s0;
	s1 =	sshll.u32 s1, $0x11  }
0xba: {  	s0 =	sor.u32 s1, s0  }
0xbb: {  	s0 =	sadd.s32 $0x8F2B, s0  }
0xbc: {  	[sflag:s0] =	ssyncadd.remote.s32 $0x1  }
0xbd: {  	_ =	sfence.sel $0xFFFF  }
0xbe: {  	[dreg:$0x0] =	wrdreg $0xFFFFFFFF;
	(pc) =	sbr.abs _section_cstart, $3  }
0xbf: {  	[dreg:$0x1] =	wrdreg $0xFFFFFFFF  }
0xc0: {  	_ =	task.clear_ibuf [dreg:s6], $0x2FFFF;
	_ =	strace $0x9FFFFFFF  }
0xc1: {  	(tm) =	ssettm $0x7FFFFFFF  }
tec
execute0_lowered:
.L_overlay_start_1:
0x0: {  	(tag) =	ssettag $0x1  }
0x1: {  	s1 =	srdreg.scid;
	s0 =	stileid.u32  }
0x2: {  	s3 =	rddreg [dreg:$0x0];
	s2 =	simm.s32 $0x0;
	s9 =	simm.s32 $0xC80  }
0x3: {  	s10 =	simm.s32 $0x1900;
	s11 =	simm.s32 $0x1980;
	s12 =	simm.s32 $0x0  }
0x4: {  	s4 =	sand.u32 $0x1, s1;
	s5 =	sshll.u32 s0, $0x1;
	s1 =	rddreg [dreg:$0x1]  }
0x5: {  	[smem:$0x7FF] =	sst s2;
	s5 =	sor.u32 s4, s5;
	s4 =	ssub.s32 $0x2, s4  }
0x6: {  	s6 =	smul.u32 $0x188, s5;
	s5 =	sshll.u32 s5, $0x4;
	s7 =	sshrl.u32 s4, $0x1  }
0x7: {  	_ =	strace $0x80000047;
	s8 =	sadd.s32 s5, s3;
	s7 =	ssub.s32 s4, s7  }
0x8: {  	s3 =	sadd.s32 s3, s6;
	s5 =	sadd.s32 $0x6400, s8;
	s6 =	sadd.s32 $0x6600, s8  }
0x9: {  	s7 =	smax.u32 s7, $0x1;
	s8 =	simm.s32 $0x1;
	s4 =	sadd.s32 $0x3200, s3  }
.LBB2_1:
0xa: {  	[tilespmem:s2], [sflag:$0x1] =	stream.linear.gather [hbm4b:s3+s2], $0xC40, $0x38;
	[tilespmem:$0x1A00] =	vst v63  }
0xb: {  	_ =	swait.ge [sflag:s8], $0xC40  }
0xc: {  	[sflag:s8] =	ssyncset.done $0x0  }
0xd: {  	[sflag:s8] =	ssyncadd.s32 $0xFFFFF3C0  }
0xe: {  	[tilespmem:s9], [sflag:$0x1] =	stream.linear.gather [hbm4b:s4+s2], $0xC40, $0x38;
	[tilespmem:$0x1A00] =	vst v63  }
0xf: {  	_ =	swait.ge [sflag:s8], $0xC40  }
0x10: {  	[sflag:s8] =	ssyncset.done $0x0  }
0x11: {  	s14 =	simm.s32 $0x0;
	[sflag:s8] =	ssyncadd.s32 $0xFFFFF3C0  }
0x12: {  	v1 =	vld [tilespmem:s14+$0x0]  }
0x13: {  	v0 =	vimm.f32 $0.0e+00;
	s13 =	simm.s32 $0x40;
	v2 =	vimm.f32 $0.0e+00;
	v3 =	vld [tilespmem:s14+$0xC80]  }
.LBB2_2:
0x14: {  	_ = 	snop  }
0x15: {  	p0 =	sne.s32 s13, $0x30C0  }
.Ltmp0:
0x16: {  	_ = 	snop;
	(pc) =	sbr.rel @p0 .LBB2_2-.Ltmp0, $4  }
0x17: {  	_ = 	snop  }
0x18: {  	s14 =	sshra.s32 s13, $0x2;
	v4 =	vmul.f32 v3, v1  }
0x19: {  	v0 =	vadd.f32 v1, v0;
	v1 =	vld [tilespmem:s14+$0x0]  }
0x1a: {  	s13 =	sadd.s32 $0x40, s13;
	v3 =	vld [tilespmem:s14+$0xC80];
	v2 =	vadd.f32 v4, v2  }
0x1b: {  	_ =	sdelay $0x3  }
0x1c: {  	v3 =	vmul.f32 v3, v1  }
0x1d: {  	v0 =	vadd.f32 v1, v0  }
0x1e: {  	v2 =	vadd.f32 v3, v2  }
0x1f: {  	[tilespmem:$0x1980] =	vst v0  }
0x20: {  	[tilespmem:$0x1900] =	vst v2  }
0x21: {  	[hbm4b:s5+s2] =	stream.linear.scatter [tilespmem:s10], [sflag:$0x1], $0x80, $0x38;
	[tilespmem:$0x1A00] =	vst v63  }
0x22: {  	s12 =	sadd.s32 $0x1, s12;
	_ =	swait.ge [sflag:s8], $0x80  }
0x23: {  	p0 =	sne.s32 s12, s7;
	[sflag:s8] =	ssyncset.done $0x0  }
.Ltmp1:
0x24: {  	[sflag:s8] =	ssyncadd.s32 $0xFFFFFF80;
	(pc) =	sbr.rel @p0 .LBB2_1-.Ltmp1, $4  }
0x25: {  	[hbm4b:s6+s2] =	stream.linear.scatter [tilespmem:s11], [sflag:$0x1], $0x80, $0x38;
	[tilespmem:$0x1A00] =	vst v63  }
0x26: {  	_ =	swait.ge [sflag:s8], $0x80  }
0x27: {  	[sflag:s8] =	ssyncset.done $0x0  }
0x28: {  	[sflag:s8] =	ssyncadd.s32 $0xFFFFFF80  }
0x29: {  	_ =	sfence.sel $0x180000  }
0x2a: {  	[bflag:$0x0] =	sbarrier.arrive $0xFFFF  }
0x2b: {  	p0 =	sne.s32 s0, $0x0;
	_ =	strace $0x90000047  }
0x2c: {  	s0 =	sadd.s32 @!p0 $0x100000, s1;
	[bflag:$0x2] =	sbarrier.arrive $0xFFFF  }
0x2d: {  	[sflag:s0] =	ssyncadd.tile.s32 @!p0 $0x1;
	_ =	shalt  }
.Lfunc_end2:
_tile_overlayer_lowered:
.L_overlay_start_2:
0x2e: {  	(tag) =	ssettag $0x2  }
0x2f: {  	s0 =	rddreg [dreg:$0x0];
	s2 =	stileid.u32  }
0x30: {  	s1 =	rddreg [dreg:$0x1];
	p0 =	sne.s32 s2, $0x0  }
0x31: {  	s3 =	rddreg [dreg:$0x2];
	[bflag:$0x3] =	sbarrier.arrive $0xFFFF;
	s2 =	simm.s32 @!p0 $0x1C01  }
0x32: {  	[timem:s3], [sflag:s2] =	dma.local @!p0 [hbm:s0], s1  }
0x33: {  	s0 =	simm.s32 @!p0 $0x1  }
0x34: {  	_ =	swait.ge @!p0 [sflag:s0], s1  }
0x35: {  	s1 =	ssub.s32 @!p0 $0x0, s1;
	[sflag:s0] =	ssyncset.done @!p0 $0x0  }
0x36: {  	[sflag:s0] =	ssyncadd.s32 @!p0 s1  }
0x37: {  	[bflag:$0x3] =	sbarrier.arrive $0xFFFF  }
0x38: {  	_ =	shalt  }

</sc_bundles>
